<compile_context>
chip_gen: v7x
topology: tpu7x:2x2x1
jax: 0.10.2.dev20260603
libtpu: 0.0.44.dev20260713+nightly
codegen_flags: <defaults>
</compile_context>

<pallas_src>
import jax
import jax.numpy as jnp
from jax import lax
from jax.experimental import pallas as pl
from jax.experimental.pallas import tpu as pltpu
from jax.experimental.pallas import tpu_sc as plsc

B = 16384
D = 32
NC = 2
NS = 16
NW = NC * NS
BPW = B // NW
RING = 8


def _gather_body(iidx_hbm, uidx_hbm, tabi, tabu, dp_hbm,
                 iidx_s, uidx_s, ibuf, ubuf, dp_v, isem, usem):
    wid = lax.axis_index("s") * NC + lax.axis_index("c")
    base = wid * BPW
    pltpu.sync_copy(iidx_hbm.at[pl.ds(base, BPW)], iidx_s.at[pl.ds(0, BPW)])
    pltpu.sync_copy(uidx_hbm.at[pl.ds(base, BPW)], uidx_s.at[pl.ds(0, BPW)])

    def sidx(ref, k):
        return ref[pl.ds(k, 16)][0]

    def fire(k, r):
        ci = pl.multiple_of((sidx(iidx_s, k) >> 7) * 128, 128)
        cu = pl.multiple_of((sidx(uidx_s, k) >> 7) * 128, 128)
        for fb in range(D // 8):
            s = pl.ds(fb * 8, 8)
            pltpu.async_copy(tabi.at[s, pl.ds(ci, 128)], ibuf.at[r, s], isem.at[r])
            pltpu.async_copy(tabu.at[s, pl.ds(cu, 128)], ubuf.at[r, s], usem.at[r])

    for k in range(RING - 1):
        fire(k, k)

    rows0 = jnp.arange(16, dtype=jnp.int32)
    rows1 = rows0 + 16

    def step(n, _):
        r = lax.rem(n, RING)
        nf = n + (RING - 1)

        @pl.when(nf < BPW)
        def _():
            fire(nf, lax.rem(nf, RING))

        pltpu.make_async_copy(tabi.at[:, pl.ds(0, 128)], ibuf.at[r], isem.at[r]).wait()
        pltpu.make_async_copy(tabu.at[:, pl.ds(0, 128)], ubuf.at[r], usem.at[r]).wait()

        wi = jnp.full((16,), sidx(iidx_s, n) & 127, jnp.int32)
        wu = jnp.full((16,), sidx(uidx_s, n) & 127, jnp.int32)
        pos = jnp.full((16,), n, jnp.int32)
        i0 = plsc.load_gather(ibuf.at[r], [rows0, wi])
        i1 = plsc.load_gather(ibuf.at[r], [rows1, wi])
        u0 = plsc.load_gather(ubuf.at[r], [rows0, wu])
        u1 = plsc.load_gather(ubuf.at[r], [rows1, wu])
        plsc.store_scatter(dp_v, [rows0, pos], i0 * u0)
        plsc.store_scatter(dp_v, [rows1, pos], i1 * u1)
        return 0

    lax.fori_loop(0, BPW, step, 0)
    pltpu.sync_copy(dp_v, dp_hbm.at[:, pl.ds(base, BPW)])


_gather = pl.kernel(
    _gather_body,
    mesh=plsc.VectorSubcoreMesh(core_axis_name="c", subcore_axis_name="s"),
    out_type=jax.ShapeDtypeStruct((D, B), jnp.float32),
    scratch_types=[
        pltpu.VMEM((BPW + 16,), jnp.int32),
        pltpu.VMEM((BPW + 16,), jnp.int32),
        pltpu.VMEM((RING, D, 128), jnp.float32),
        pltpu.VMEM((RING, D, 128), jnp.float32),
        pltpu.VMEM((D, BPW), jnp.float32),
        pltpu.SemaphoreType.DMA((RING,)),
        pltpu.SemaphoreType.DMA((RING,)),
    ],
    compiler_params=pltpu.CompilerParams(
        needs_layout_passes=False, use_tc_tiling_on_sc=True),
)


def _mlp_body(dp_ref, w_ref, b_ref, out_ref):
    acc = jnp.dot(w_ref[...], dp_ref[...], preferred_element_type=jnp.float32)
    out_ref[...] = jax.nn.sigmoid(acc + b_ref[...])


_CB = 2048


_mlp = pl.pallas_call(
    _mlp_body,
    grid=(B // _CB,),
    in_specs=[
        pl.BlockSpec((D, _CB), lambda i: (0, i)),
        pl.BlockSpec((D, D), lambda i: (0, 0)),
        pl.BlockSpec((D, 1), lambda i: (0, 0)),
    ],
    out_specs=pl.BlockSpec((D, _CB), lambda i: (0, i)),
    out_shape=jax.ShapeDtypeStruct((D, B), jnp.float32),
)


def kernel(item_vec, user_vec, item_table, user_table, W, b):
    iidx = item_vec.astype(jnp.int32)
    uidx = user_vec.astype(jnp.int32)
    dp_t = _gather(iidx, uidx, item_table.T, user_table.T)
    out_t = _mlp(dp_t, W, b.reshape(D, 1))
    return out_t.T

# --- scband reference (transcript-rebuilt; emitter-appended) ---
"""Pipeline reference for scband-gmfnet-34462817583131 (READ-ONLY COPY).

The authoritative reference and input builder live on the scoring server;
editing this copy changes nothing except your own understanding.
"""

import jax, jax.numpy as jnp
import numpy as np

NUM_ITEMS = 1000000
NUM_USERS = 1000000
EMBED_DIM = 32
BATCH = 16384

def setup_inputs(seed: int = 0) -> dict:
    key = jax.random.key(seed)
    k1, k2, k3, k4, k5, k6 = jax.random.split(key, 6)
    item_vec = jax.random.randint(k1, (BATCH,), 0, NUM_ITEMS, dtype=jnp.int64) if jax.config.jax_enable_x64 else jax.random.randint(k1, (BATCH,), 0, NUM_ITEMS, dtype=jnp.int32)
    user_vec = jax.random.randint(k2, (BATCH,), 0, NUM_USERS, dtype=jnp.int32)
    item_table = jax.random.normal(k3, (NUM_ITEMS, EMBED_DIM), dtype=jnp.float32)
    user_table = jax.random.normal(k4, (NUM_USERS, EMBED_DIM), dtype=jnp.float32)
    lim = 1.0 / np.sqrt(EMBED_DIM)
    W = jax.random.uniform(k5, (EMBED_DIM, EMBED_DIM), minval=-lim, maxval=lim, dtype=jnp.float32)
    b = jax.random.uniform(k6, (EMBED_DIM,), minval=-lim, maxval=lim, dtype=jnp.float32)
    return {"item_vec": item_vec, "user_vec": user_vec, "item_table": item_table, "user_table": user_table, "W": W, "b": b}

def reference(item_vec, user_vec, item_table, user_table, W, b):
    ilv = jnp.take(item_table, item_vec, axis=0)
    ulv = jnp.take(user_table, user_vec, axis=0)
    dp = ilv * ulv
    out = dp @ W.T + b
    return jax.nn.sigmoid(out)

if __name__ == "__main__":
    import jax
    _d = setup_inputs()
    print(jax.jit(kernel)(*tuple(_d.values())))

</pallas_src>

<mosaic_0001>
#map = affine_map<(d0, d1) -> (0)>
#map1 = affine_map<(d0, d1) -> (0, 0)>
module attributes {stable_mosaic.version = 14 : i64} {
  func.func @_gather_body(%arg0: i32, %arg1: i32, %arg2: memref<16384xi32, #tpu.memory_space<hbm>>, %arg3: memref<16384xi32, #tpu.memory_space<hbm>>, %arg4: memref<32x1000000xf32, #tpu.memory_space<hbm>>, %arg5: memref<32x1000000xf32, #tpu.memory_space<hbm>>, %arg6: memref<32x16384xf32, #tpu.memory_space<hbm>>, %arg7: memref<528xi32, #tpu.memory_space<vmem>>, %arg8: memref<528xi32, #tpu.memory_space<vmem>>, %arg9: memref<8x32x128xf32, #tpu.memory_space<vmem>>, %arg10: memref<8x32x128xf32, #tpu.memory_space<vmem>>, %arg11: memref<32x512xf32, #tpu.memory_space<vmem>>, %arg12: memref<8x!tpu.dma_semaphore, #tpu.memory_space<semaphore_mem>>, %arg13: memref<8x!tpu.dma_semaphore, #tpu.memory_space<semaphore_mem>>) attributes {dimension_semantics = [#tpu.dimension_semantics<core_parallel>, #tpu.dimension_semantics<subcore_parallel>], iteration_bounds = array<i64: 2, 16>, scalar_prefetch = 0 : i64, scratch_operands = 7 : i64, tpu.core_type = #tpu.core_type<sc_vector_subcore>, window_params = [{transform_indices = #map}, {transform_indices = #map}, {transform_indices = #map1}, {transform_indices = #map1}, {transform_indices = #map1}]} {
    %mul3A = arith.constant 2 : i32
    %mul3A_0 = arith.muli %arg1, %mul3A : i32
    %add3A = arith.addi %mul3A_0, %arg0 : i32
    %mul3A_1 = arith.constant 512 : i32
    %mul3A_2 = arith.muli %add3A, %mul3A_1 : i32
    "tpu.region"() ({
      %run_scoped3A = tpu.sem_alloc : memref<!tpu.dma_semaphore, #tpu.memory_space<semaphore_mem>>
      %dma_start3A_1028 = arith.constant 0 : i32
      %dma_start3A_1029 = tpu.memref_slice %arg7[%dma_start3A_1028] : memref<528xi32, #tpu.memory_space<vmem>> -> memref<512xi32, #tpu.memory_space<vmem>>
      %dma_start3A_1030 = tpu.memref_slice %arg2[%mul3A_2] : memref<16384xi32, #tpu.memory_space<hbm>> -> memref<512xi32, #tpu.memory_space<hbm>>
      %dma_start3A_1031 = arith.constant 0 : i32
      %dma_start3A_1032 = tpu.memref_slice %arg7[%dma_start3A_1031] : memref<528xi32, #tpu.memory_space<vmem>> -> memref<512xi32, #tpu.memory_space<vmem>>
      %dma_start3A_1033 = tpu.memref_slice %arg2[%mul3A_2] : memref<16384xi32, #tpu.memory_space<hbm>> -> memref<512xi32, #tpu.memory_space<hbm>>
      tpu.enqueue_dma source(%dma_start3A_1033 : memref<512xi32, #tpu.memory_space<hbm>>) target(%dma_start3A_1032 : memref<512xi32, #tpu.memory_space<vmem>>) target_semaphore(%run_scoped3A : memref<!tpu.dma_semaphore, #tpu.memory_space<semaphore_mem>>)
      %dma_wait3A = arith.constant 0 : i32
      %dma_wait3A_1034 = tpu.memref_slice %arg7[%dma_wait3A] : memref<528xi32, #tpu.memory_space<vmem>> -> memref<512xi32, #tpu.memory_space<vmem>>
      %dma_wait3A_1035 = tpu.memref_slice %arg2[%mul3A_2] : memref<16384xi32, #tpu.memory_space<hbm>> -> memref<512xi32, #tpu.memory_space<hbm>>
      %dma_wait3A_1036 = arith.constant 0 : i32
      %dma_wait3A_1037 = tpu.memref_slice %arg7[%dma_wait3A_1036] : memref<528xi32, #tpu.memory_space<vmem>> -> memref<512xi32, #tpu.memory_space<vmem>>
      %dma_wait3A_1038 = tpu.memref_slice %arg2[%mul3A_2] : memref<16384xi32, #tpu.memory_space<hbm>> -> memref<512xi32, #tpu.memory_space<hbm>>
      tpu.wait_dma2 semaphore(%run_scoped3A : memref<!tpu.dma_semaphore, #tpu.memory_space<semaphore_mem>>) src(%dma_wait3A_1038 : memref<512xi32, #tpu.memory_space<hbm>>) dst(%dma_wait3A_1037 : memref<512xi32, #tpu.memory_space<vmem>>)
      tpu.yield
    }) : () -> ()
    "tpu.region"() ({
      %run_scoped3A = tpu.sem_alloc : memref<!tpu.dma_semaphore, #tpu.memory_space<semaphore_mem>>
      %dma_start3A_1028 = arith.constant 0 : i32
      %dma_start3A_1029 = tpu.memref_slice %arg8[%dma_start3A_1028] : memref<528xi32, #tpu.memory_space<vmem>> -> memref<512xi32, #tpu.memory_space<vmem>>
      %dma_start3A_1030 = tpu.memref_slice %arg3[%mul3A_2] : memref<16384xi32, #tpu.memory_space<hbm>> -> memref<512xi32, #tpu.memory_space<hbm>>
      %dma_start3A_1031 = arith.constant 0 : i32
      %dma_start3A_1032 = tpu.memref_slice %arg8[%dma_start3A_1031] : memref<528xi32, #tpu.memory_space<vmem>> -> memref<512xi32, #tpu.memory_space<vmem>>
      %dma_start3A_1033 = tpu.memref_slice %arg3[%mul3A_2] : memref<16384xi32, #tpu.memory_space<hbm>> -> memref<512xi32, #tpu.memory_space<hbm>>
      tpu.enqueue_dma source(%dma_start3A_1033 : memref<512xi32, #tpu.memory_space<hbm>>) target(%dma_start3A_1032 : memref<512xi32, #tpu.memory_space<vmem>>) target_semaphore(%run_scoped3A : memref<!tpu.dma_semaphore, #tpu.memory_space<semaphore_mem>>)
      %dma_wait3A = arith.constant 0 : i32
      %dma_wait3A_1034 = tpu.memref_slice %arg8[%dma_wait3A] : memref<528xi32, #tpu.memory_space<vmem>> -> memref<512xi32, #tpu.memory_space<vmem>>
      %dma_wait3A_1035 = tpu.memref_slice %arg3[%mul3A_2] : memref<16384xi32, #tpu.memory_space<hbm>> -> memref<512xi32, #tpu.memory_space<hbm>>
      %dma_wait3A_1036 = arith.constant 0 : i32
      %dma_wait3A_1037 = tpu.memref_slice %arg8[%dma_wait3A_1036] : memref<528xi32, #tpu.memory_space<vmem>> -> memref<512xi32, #tpu.memory_space<vmem>>
      %dma_wait3A_1038 = tpu.memref_slice %arg3[%mul3A_2] : memref<16384xi32, #tpu.memory_space<hbm>> -> memref<512xi32, #tpu.memory_space<hbm>>
      tpu.wait_dma2 semaphore(%run_scoped3A : memref<!tpu.dma_semaphore, #tpu.memory_space<semaphore_mem>>) src(%dma_wait3A_1038 : memref<512xi32, #tpu.memory_space<hbm>>) dst(%dma_wait3A_1037 : memref<512xi32, #tpu.memory_space<vmem>>)
      tpu.yield
    }) : () -> ()
    %get3A = arith.constant 0 : index
    %get3A_3 = tpu.vector_load %arg7[%get3A] {strides = array<i32>} : memref<528xi32, #tpu.memory_space<vmem>>, vector<16xi32>,
    %slice3A = vector.extract_strided_slice %get3A_3 {offsets = [0], sizes = [1], strides = [1]} : vector<16xi32> to vector<1xi32>
    %squeeze3A = vector.extract %slice3A[0] : i32 from vector<1xi32>
    %shift_right_arithmetic3A = arith.constant 7 : i32
    %shift_right_arithmetic3A_4 = arith.shrsi %squeeze3A, %shift_right_arithmetic3A : i32
    %mul3A_5 = arith.constant 128 : i32
    %mul3A_6 = arith.muli %shift_right_arithmetic3A_4, %mul3A_5 : i32
    %multiple_of3A = tpu.assume_multiple %mul3A_6, 128 : i32
    %get3A_7 = arith.constant 0 : index
    %get3A_8 = tpu.vector_load %arg8[%get3A_7] {strides = array<i32>} : memref<528xi32, #tpu.memory_space<vmem>>, vector<16xi32>,
    %slice3A_9 = vector.extract_strided_slice %get3A_8 {offsets = [0], sizes = [1], strides = [1]} : vector<16xi32> to vector<1xi32>
    %squeeze3A_10 = vector.extract %slice3A_9[0] : i32 from vector<1xi32>
    %shift_right_arithmetic3A_11 = arith.constant 7 : i32
    %shift_right_arithmetic3A_12 = arith.shrsi %squeeze3A_10, %shift_right_arithmetic3A_11 : i32
    %mul3A_13 = arith.constant 128 : i32
    %mul3A_14 = arith.muli %shift_right_arithmetic3A_12, %mul3A_13 : i32
    %multiple_of3A_15 = tpu.assume_multiple %mul3A_14, 128 : i32
    %dma_start3A = arith.constant 0 : i32
    %dma_start3A_16 = arith.constant 0 : i32
    %dma_start3A_17 = arith.constant 0 : i32
    %dma_start3A_18 = arith.constant 0 : i32
    %dma_start3A_19 = tpu.memref_slice %arg9[%dma_start3A, %dma_start3A_17, %dma_start3A_18] : memref<8x32x128xf32, #tpu.memory_space<vmem>> -> memref<1x8x128xf32, #tpu.memory_space<vmem>>
    %dma_start3A_20 = tpu.memref_squeeze %dma_start3A_19 : memref<1x8x128xf32, #tpu.memory_space<vmem>> -> memref<8x128xf32, #tpu.memory_space<vmem>>
    %dma_start3A_21 = arith.constant 0 : i32
    %dma_start3A_22 = tpu.memref_slice %arg4[%dma_start3A_21, %multiple_of3A] : memref<32x1000000xf32, #tpu.memory_space<hbm>> -> memref<8x128xf32, #tpu.memory_space<hbm>>
    %dma_start3A_23 = tpu.memref_slice %arg12[%dma_start3A_16] : memref<8x!tpu.dma_semaphore, #tpu.memory_space<semaphore_mem>> -> memref<1x!tpu.dma_semaphore, #tpu.memory_space<semaphore_mem>>
    %dma_start3A_24 = tpu.memref_squeeze %dma_start3A_23 : memref<1x!tpu.dma_semaphore, #tpu.memory_space<semaphore_mem>> -> memref<!tpu.dma_semaphore, #tpu.memory_space<semaphore_mem>>
    %dma_start3A_25 = arith.constant 0 : i32
    %dma_start3A_26 = arith.constant 0 : i32
    %dma_start3A_27 = tpu.memref_slice %arg9[%dma_start3A, %dma_start3A_25, %dma_start3A_26] : memref<8x32x128xf32, #tpu.memory_space<vmem>> -> memref<1x8x128xf32, #tpu.memory_space<vmem>>
    %dma_start3A_28 = tpu.memref_squeeze %dma_start3A_27 : memref<1x8x128xf32, #tpu.memory_space<vmem>> -> memref<8x128xf32, #tpu.memory_space<vmem>>
    %dma_start3A_29 = arith.constant 0 : i32
    %dma_start3A_30 = tpu.memref_slice %arg4[%dma_start3A_29, %multiple_of3A] : memref<32x1000000xf32, #tpu.memory_space<hbm>> -> memref<8x128xf32, #tpu.memory_space<hbm>>
    tpu.enqueue_dma source(%dma_start3A_30 : memref<8x128xf32, #tpu.memory_space<hbm>>) target(%dma_start3A_28 : memref<8x128xf32, #tpu.memory_space<vmem>>) target_semaphore(%dma_start3A_24 : memref<!tpu.dma_semaphore, #tpu.memory_space<semaphore_mem>>)
    %dma_start3A_31 = arith.constant 0 : i32
    %dma_start3A_32 = arith.constant 0 : i32
    %dma_start3A_33 = arith.constant 0 : i32
    %dma_start3A_34 = arith.constant 0 : i32
    %dma_start3A_35 = tpu.memref_slice %arg10[%dma_start3A_31, %dma_start3A_33, %dma_start3A_34] : memref<8x32x128xf32, #tpu.memory_space<vmem>> -> memref<1x8x128xf32, #tpu.memory_space<vmem>>
    %dma_start3A_36 = tpu.memref_squeeze %dma_start3A_35 : memref<1x8x128xf32, #tpu.memory_space<vmem>> -> memref<8x128xf32, #tpu.memory_space<vmem>>
    %dma_start3A_37 = arith.constant 0 : i32
    %dma_start3A_38 = tpu.memref_slice %arg5[%dma_start3A_37, %multiple_of3A_15] : memref<32x1000000xf32, #tpu.memory_space<hbm>> -> memref<8x128xf32, #tpu.memory_space<hbm>>
    %dma_start3A_39 = tpu.memref_slice %arg13[%dma_start3A_32] : memref<8x!tpu.dma_semaphore, #tpu.memory_space<semaphore_mem>> -> memref<1x!tpu.dma_semaphore, #tpu.memory_space<semaphore_mem>>
    %dma_start3A_40 = tpu.memref_squeeze %dma_start3A_39 : memref<1x!tpu.dma_semaphore, #tpu.memory_space<semaphore_mem>> -> memref<!tpu.dma_semaphore, #tpu.memory_space<semaphore_mem>>
    %dma_start3A_41 = arith.constant 0 : i32
    %dma_start3A_42 = arith.constant 0 : i32
    %dma_start3A_43 = tpu.memref_slice %arg10[%dma_start3A_31, %dma_start3A_41, %dma_start3A_42] : memref<8x32x128xf32, #tpu.memory_space<vmem>> -> memref<1x8x128xf32, #tpu.memory_space<vmem>>
    %dma_start3A_44 = tpu.memref_squeeze %dma_start3A_43 : memref<1x8x128xf32, #tpu.memory_space<vmem>> -> memref<8x128xf32, #tpu.memory_space<vmem>>
    %dma_start3A_45 = arith.constant 0 : i32
    %dma_start3A_46 = tpu.memref_slice %arg5[%dma_start3A_45, %multiple_of3A_15] : memref<32x1000000xf32, #tpu.memory_space<hbm>> -> memref<8x128xf32, #tpu.memory_space<hbm>>
    tpu.enqueue_dma source(%dma_start3A_46 : memref<8x128xf32, #tpu.memory_space<hbm>>) target(%dma_start3A_44 : memref<8x128xf32, #tpu.memory_space<vmem>>) target_semaphore(%dma_start3A_40 : memref<!tpu.dma_semaphore, #tpu.memory_space<semaphore_mem>>)
    %dma_start3A_47 = arith.constant 0 : i32
    %dma_start3A_48 = arith.constant 0 : i32
    %dma_start3A_49 = arith.constant 8 : i32
    %dma_start3A_50 = arith.constant 0 : i32
    %dma_start3A_51 = tpu.memref_slice %arg9[%dma_start3A_47, %dma_start3A_49, %dma_start3A_50] : memref<8x32x128xf32, #tpu.memory_space<vmem>> -> memref<1x8x128xf32, #tpu.memory_space<vmem>>
    %dma_start3A_52 = tpu.memref_squeeze %dma_start3A_51 : memref<1x8x128xf32, #tpu.memory_space<vmem>> -> memref<8x128xf32, #tpu.memory_space<vmem>>
    %dma_start3A_53 = arith.constant 8 : i32
    %dma_start3A_54 = tpu.memref_slice %arg4[%dma_start3A_53, %multiple_of3A] : memref<32x1000000xf32, #tpu.memory_space<hbm>> -> memref<8x128xf32, #tpu.memory_space<hbm>>
    %dma_start3A_55 = tpu.memref_slice %arg12[%dma_start3A_48] : memref<8x!tpu.dma_semaphore, #tpu.memory_space<semaphore_mem>> -> memref<1x!tpu.dma_semaphore, #tpu.memory_space<semaphore_mem>>
    %dma_start3A_56 = tpu.memref_squeeze %dma_start3A_55 : memref<1x!tpu.dma_semaphore, #tpu.memory_space<semaphore_mem>> -> memref<!tpu.dma_semaphore, #tpu.memory_space<semaphore_mem>>
    %dma_start3A_57 = arith.constant 8 : i32
    %dma_start3A_58 = arith.constant 0 : i32
    %dma_start3A_59 = tpu.memref_slice %arg9[%dma_start3A_47, %dma_start3A_57, %dma_start3A_58] : memref<8x32x128xf32, #tpu.memory_space<vmem>> -> memref<1x8x128xf32, #tpu.memory_space<vmem>>
    %dma_start3A_60 = tpu.memref_squeeze %dma_start3A_59 : memref<1x8x128xf32, #tpu.memory_space<vmem>> -> memref<8x128xf32, #tpu.memory_space<vmem>>
    %dma_start3A_61 = arith.constant 8 : i32
    %dma_start3A_62 = tpu.memref_slice %arg4[%dma_start3A_61, %multiple_of3A] : memref<32x1000000xf32, #tpu.memory_space<hbm>> -> memref<8x128xf32, #tpu.memory_space<hbm>>
    tpu.enqueue_dma source(%dma_start3A_62 : memref<8x128xf32, #tpu.memory_space<hbm>>) target(%dma_start3A_60 : memref<8x128xf32, #tpu.memory_space<vmem>>) target_semaphore(%dma_start3A_56 : memref<!tpu.dma_semaphore, #tpu.memory_space<semaphore_mem>>)
    %dma_start3A_63 = arith.constant 0 : i32
    %dma_start3A_64 = arith.constant 0 : i32
    %dma_start3A_65 = arith.constant 8 : i32
    %dma_start3A_66 = arith.constant 0 : i32
    %dma_start3A_67 = tpu.memref_slice %arg10[%dma_start3A_63, %dma_start3A_65, %dma_start3A_66] : memref<8x32x128xf32, #tpu.memory_space<vmem>> -> memref<1x8x128xf32, #tpu.memory_space<vmem>>
    %dma_start3A_68 = tpu.memref_squeeze %dma_start3A_67 : memref<1x8x128xf32, #tpu.memory_space<vmem>> -> memref<8x128xf32, #tpu.memory_space<vmem>>
    %dma_start3A_69 = arith.constant 8 : i32
    %dma_start3A_70 = tpu.memref_slice %arg5[%dma_start3A_69, %multiple_of3A_15] : memref<32x1000000xf32, #tpu.memory_space<hbm>> -> memref<8x128xf32, #tpu.memory_space<hbm>>
    %dma_start3A_71 = tpu.memref_slice %arg13[%dma_start3A_64] : memref<8x!tpu.dma_semaphore, #tpu.memory_space<semaphore_mem>> -> memref<1x!tpu.dma_semaphore, #tpu.memory_space<semaphore_mem>>
    %dma_start3A_72 = tpu.memref_squeeze %dma_start3A_71 : memref<1x!tpu.dma_semaphore, #tpu.memory_space<semaphore_mem>> -> memref<!tpu.dma_semaphore, #tpu.memory_space<semaphore_mem>>
    %dma_start3A_73 = arith.constant 8 : i32
    %dma_start3A_74 = arith.constant 0 : i32
    %dma_start3A_75 = tpu.memref_slice %arg10[%dma_start3A_63, %dma_start3A_73, %dma_start3A_74] : memref<8x32x128xf32, #tpu.memory_space<vmem>> -> memref<1x8x128xf32, #tpu.memory_space<vmem>>
    %dma_start3A_76 = tpu.memref_squeeze %dma_start3A_75 : memref<1x8x128xf32, #tpu.memory_space<vmem>> -> memref<8x128xf32, #tpu.memory_space<vmem>>
    %dma_start3A_77 = arith.constant 8 : i32
    %dma_start3A_78 = tpu.memref_slice %arg5[%dma_start3A_77, %multiple_of3A_15] : memref<32x1000000xf32, #tpu.memory_space<hbm>> -> memref<8x128xf32, #tpu.memory_space<hbm>>
    tpu.enqueue_dma source(%dma_start3A_78 : memref<8x128xf32, #tpu.memory_space<hbm>>) target(%dma_start3A_76 : memref<8x128xf32, #tpu.memory_space<vmem>>) target_semaphore(%dma_start3A_72 : memref<!tpu.dma_semaphore, #tpu.memory_space<semaphore_mem>>)
    %dma_start3A_79 = arith.constant 0 : i32
    %dma_start3A_80 = arith.constant 0 : i32
    %dma_start3A_81 = arith.constant 16 : i32
    %dma_start3A_82 = arith.constant 0 : i32
    %dma_start3A_83 = tpu.memref_slice %arg9[%dma_start3A_79, %dma_start3A_81, %dma_start3A_82] : memref<8x32x128xf32, #tpu.memory_space<vmem>> -> memref<1x8x128xf32, #tpu.memory_space<vmem>>
    %dma_start3A_84 = tpu.memref_squeeze %dma_start3A_83 : memref<1x8x128xf32, #tpu.memory_space<vmem>> -> memref<8x128xf32, #tpu.memory_space<vmem>>
    %dma_start3A_85 = arith.constant 16 : i32
    %dma_start3A_86 = tpu.memref_slice %arg4[%dma_start3A_85, %multiple_of3A] : memref<32x1000000xf32, #tpu.memory_space<hbm>> -> memref<8x128xf32, #tpu.memory_space<hbm>>
    %dma_start3A_87 = tpu.memref_slice %arg12[%dma_start3A_80] : memref<8x!tpu.dma_semaphore, #tpu.memory_space<semaphore_mem>> -> memref<1x!tpu.dma_semaphore, #tpu.memory_space<semaphore_mem>>
    %dma_start3A_88 = tpu.memref_squeeze %dma_start3A_87 : memref<1x!tpu.dma_semaphore, #tpu.memory_space<semaphore_mem>> -> memref<!tpu.dma_semaphore, #tpu.memory_space<semaphore_mem>>
    %dma_start3A_89 = arith.constant 16 : i32
    %dma_start3A_90 = arith.constant 0 : i32
    %dma_start3A_91 = tpu.memref_slice %arg9[%dma_start3A_79, %dma_start3A_89, %dma_start3A_90] : memref<8x32x128xf32, #tpu.memory_space<vmem>> -> memref<1x8x128xf32, #tpu.memory_space<vmem>>
    %dma_start3A_92 = tpu.memref_squeeze %dma_start3A_91 : memref<1x8x128xf32, #tpu.memory_space<vmem>> -> memref<8x128xf32, #tpu.memory_space<vmem>>
    %dma_start3A_93 = arith.constant 16 : i32
    %dma_start3A_94 = tpu.memref_slice %arg4[%dma_start3A_93, %multiple_of3A] : memref<32x1000000xf32, #tpu.memory_space<hbm>> -> memref<8x128xf32, #tpu.memory_space<hbm>>
    tpu.enqueue_dma source(%dma_start3A_94 : memref<8x128xf32, #tpu.memory_space<hbm>>) target(%dma_start3A_92 : memref<8x128xf32, #tpu.memory_space<vmem>>) target_semaphore(%dma_start3A_88 : memref<!tpu.dma_semaphore, #tpu.memory_space<semaphore_mem>>)
    %dma_start3A_95 = arith.constant 0 : i32
    %dma_start3A_96 = arith.constant 0 : i32
    %dma_start3A_97 = arith.constant 16 : i32
    %dma_start3A_98 = arith.constant 0 : i32
    %dma_start3A_99 = tpu.memref_slice %arg10[%dma_start3A_95, %dma_start3A_97, %dma_start3A_98] : memref<8x32x128xf32, #tpu.memory_space<vmem>> -> memref<1x8x128xf32, #tpu.memory_space<vmem>>
    %dma_start3A_100 = tpu.memref_squeeze %dma_start3A_99 : memref<1x8x128xf32, #tpu.memory_space<vmem>> -> memref<8x128xf32, #tpu.memory_space<vmem>>
    %dma_start3A_101 = arith.constant 16 : i32
    %dma_start3A_102 = tpu.memref_slice %arg5[%dma_start3A_101, %multiple_of3A_15] : memref<32x1000000xf32, #tpu.memory_space<hbm>> -> memref<8x128xf32, #tpu.memory_space<hbm>>
    %dma_start3A_103 = tpu.memref_slice %arg13[%dma_start3A_96] : memref<8x!tpu.dma_semaphore, #tpu.memory_space<semaphore_mem>> -> memref<1x!tpu.dma_semaphore, #tpu.memory_space<semaphore_mem>>
    %dma_start3A_104 = tpu.memref_squeeze %dma_start3A_103 : memref<1x!tpu.dma_semaphore, #tpu.memory_space<semaphore_mem>> -> memref<!tpu.dma_semaphore, #tpu.memory_space<semaphore_mem>>
    %dma_start3A_105 = arith.constant 16 : i32
    %dma_start3A_106 = arith.constant 0 : i32
    %dma_start3A_107 = tpu.memref_slice %arg10[%dma_start3A_95, %dma_start3A_105, %dma_start3A_106] : memref<8x32x128xf32, #tpu.memory_space<vmem>> -> memref<1x8x128xf32, #tpu.memory_space<vmem>>
    %dma_start3A_108 = tpu.memref_squeeze %dma_start3A_107 : memref<1x8x128xf32, #tpu.memory_space<vmem>> -> memref<8x128xf32, #tpu.memory_space<vmem>>
    %dma_start3A_109 = arith.constant 16 : i32
    %dma_start3A_110 = tpu.memref_slice %arg5[%dma_start3A_109, %multiple_of3A_15] : memref<32x1000000xf32, #tpu.memory_space<hbm>> -> memref<8x128xf32, #tpu.memory_space<hbm>>
    tpu.enqueue_dma source(%dma_start3A_110 : memref<8x128xf32, #tpu.memory_space<hbm>>) target(%dma_start3A_108 : memref<8x128xf32, #tpu.memory_space<vmem>>) target_semaphore(%dma_start3A_104 : memref<!tpu.dma_semaphore, #tpu.memory_space<semaphore_mem>>)
    %dma_start3A_111 = arith.constant 0 : i32
    %dma_start3A_112 = arith.constant 0 : i32
    %dma_start3A_113 = arith.constant 24 : i32
    %dma_start3A_114 = arith.constant 0 : i32
    %dma_start3A_115 = tpu.memref_slice %arg9[%dma_start3A_111, %dma_start3A_113, %dma_start3A_114] : memref<8x32x128xf32, #tpu.memory_space<vmem>> -> memref<1x8x128xf32, #tpu.memory_space<vmem>>
    %dma_start3A_116 = tpu.memref_squeeze %dma_start3A_115 : memref<1x8x128xf32, #tpu.memory_space<vmem>> -> memref<8x128xf32, #tpu.memory_space<vmem>>
    %dma_start3A_117 = arith.constant 24 : i32
    %dma_start3A_118 = tpu.memref_slice %arg4[%dma_start3A_117, %multiple_of3A] : memref<32x1000000xf32, #tpu.memory_space<hbm>> -> memref<8x128xf32, #tpu.memory_space<hbm>>
    %dma_start3A_119 = tpu.memref_slice %arg12[%dma_start3A_112] : memref<8x!tpu.dma_semaphore, #tpu.memory_space<semaphore_mem>> -> memref<1x!tpu.dma_semaphore, #tpu.memory_space<semaphore_mem>>
    %dma_start3A_120 = tpu.memref_squeeze %dma_start3A_119 : memref<1x!tpu.dma_semaphore, #tpu.memory_space<semaphore_mem>> -> memref<!tpu.dma_semaphore, #tpu.memory_space<semaphore_mem>>
    %dma_start3A_121 = arith.constant 24 : i32
    %dma_start3A_122 = arith.constant 0 : i32
    %dma_start3A_123 = tpu.memref_slice %arg9[%dma_start3A_111, %dma_start3A_121, %dma_start3A_122] : memref<8x32x128xf32, #tpu.memory_space<vmem>> -> memref<1x8x128xf32, #tpu.memory_space<vmem>>
    %dma_start3A_124 = tpu.memref_squeeze %dma_start3A_123 : memref<1x8x128xf32, #tpu.memory_space<vmem>> -> memref<8x128xf32, #tpu.memory_space<vmem>>
    %dma_start3A_125 = arith.constant 24 : i32
    %dma_start3A_126 = tpu.memref_slice %arg4[%dma_start3A_125, %multiple_of3A] : memref<32x1000000xf32, #tpu.memory_space<hbm>> -> memref<8x128xf32, #tpu.memory_space<hbm>>
    tpu.enqueue_dma source(%dma_start3A_126 : memref<8x128xf32, #tpu.memory_space<hbm>>) target(%dma_start3A_124 : memref<8x128xf32, #tpu.memory_space<vmem>>) target_semaphore(%dma_start3A_120 : memref<!tpu.dma_semaphore, #tpu.memory_space<semaphore_mem>>)
    %dma_start3A_127 = arith.constant 0 : i32
    %dma_start3A_128 = arith.constant 0 : i32
    %dma_start3A_129 = arith.constant 24 : i32
    %dma_start3A_130 = arith.constant 0 : i32
    %dma_start3A_131 = tpu.memref_slice %arg10[%dma_start3A_127, %dma_start3A_129, %dma_start3A_130] : memref<8x32x128xf32, #tpu.memory_space<vmem>> -> memref<1x8x128xf32, #tpu.memory_space<vmem>>
    %dma_start3A_132 = tpu.memref_squeeze %dma_start3A_131 : memref<1x8x128xf32, #tpu.memory_space<vmem>> -> memref<8x128xf32, #tpu.memory_space<vmem>>
    %dma_start3A_133 = arith.constant 24 : i32
    %dma_start3A_134 = tpu.memref_slice %arg5[%dma_start3A_133, %multiple_of3A_15] : memref<32x1000000xf32, #tpu.memory_space<hbm>> -> memref<8x128xf32, #tpu.memory_space<hbm>>
    %dma_start3A_135 = tpu.memref_slice %arg13[%dma_start3A_128] : memref<8x!tpu.dma_semaphore, #tpu.memory_space<semaphore_mem>> -> memref<1x!tpu.dma_semaphore, #tpu.memory_space<semaphore_mem>>
    %dma_start3A_136 = tpu.memref_squeeze %dma_start3A_135 : memref<1x!tpu.dma_semaphore, #tpu.memory_space<semaphore_mem>> -> memref<!tpu.dma_semaphore, #tpu.memory_space<semaphore_mem>>
    %dma_start3A_137 = arith.constant 24 : i32
    %dma_start3A_138 = arith.constant 0 : i32
    %dma_start3A_139 = tpu.memref_slice %arg10[%dma_start3A_127, %dma_start3A_137, %dma_start3A_138] : memref<8x32x128xf32, #tpu.memory_space<vmem>> -> memref<1x8x128xf32, #tpu.memory_space<vmem>>
    %dma_start3A_140 = tpu.memref_squeeze %dma_start3A_139 : memref<1x8x128xf32, #tpu.memory_space<vmem>> -> memref<8x128xf32, #tpu.memory_space<vmem>>
    %dma_start3A_141 = arith.constant 24 : i32
    %dma_start3A_142 = tpu.memref_slice %arg5[%dma_start3A_141, %multiple_of3A_15] : memref<32x1000000xf32, #tpu.memory_space<hbm>> -> memref<8x128xf32, #tpu.memory_space<hbm>>
    tpu.enqueue_dma source(%dma_start3A_142 : memref<8x128xf32, #tpu.memory_space<hbm>>) target(%dma_start3A_140 : memref<8x128xf32, #tpu.memory_space<vmem>>) target_semaphore(%dma_start3A_136 : memref<!tpu.dma_semaphore, #tpu.memory_space<semaphore_mem>>)
    %get3A_143 = arith.constant 1 : index
    %get3A_144 = tpu.vector_load %arg7[%get3A_143] {strides = array<i32>} : memref<528xi32, #tpu.memory_space<vmem>>, vector<16xi32>,
    %slice3A_145 = vector.extract_strided_slice %get3A_144 {offsets = [0], sizes = [1], strides = [1]} : vector<16xi32> to vector<1xi32>
    %squeeze3A_146 = vector.extract %slice3A_145[0] : i32 from vector<1xi32>
    %shift_right_arithmetic3A_147 = arith.constant 7 : i32
    %shift_right_arithmetic3A_148 = arith.shrsi %squeeze3A_146, %shift_right_arithmetic3A_147 : i32
    %mul3A_149 = arith.constant 128 : i32
    %mul3A_150 = arith.muli %shift_right_arithmetic3A_148, %mul3A_149 : i32
    %multiple_of3A_151 = tpu.assume_multiple %mul3A_150, 128 : i32
    %get3A_152 = arith.constant 1 : index
    %get3A_153 = tpu.vector_load %arg8[%get3A_152] {strides = array<i32>} : memref<528xi32, #tpu.memory_space<vmem>>, vector<16xi32>,
    %slice3A_154 = vector.extract_strided_slice %get3A_153 {offsets = [0], sizes = [1], strides = [1]} : vector<16xi32> to vector<1xi32>
    %squeeze3A_155 = vector.extract %slice3A_154[0] : i32 from vector<1xi32>
    %shift_right_arithmetic3A_156 = arith.constant 7 : i32
    %shift_right_arithmetic3A_157 = arith.shrsi %squeeze3A_155, %shift_right_arithmetic3A_156 : i32
    %mul3A_158 = arith.constant 128 : i32
    %mul3A_159 = arith.muli %shift_right_arithmetic3A_157, %mul3A_158 : i32
    %multiple_of3A_160 = tpu.assume_multiple %mul3A_159, 128 : i32
    %dma_start3A_161 = arith.constant 1 : i32
    %dma_start3A_162 = arith.constant 1 : i32
    %dma_start3A_163 = arith.constant 0 : i32
    %dma_start3A_164 = arith.constant 0 : i32
    %dma_start3A_165 = tpu.memref_slice %arg9[%dma_start3A_161, %dma_start3A_163, %dma_start3A_164] : memref<8x32x128xf32, #tpu.memory_space<vmem>> -> memref<1x8x128xf32, #tpu.memory_space<vmem>>
    %dma_start3A_166 = tpu.memref_squeeze %dma_start3A_165 : memref<1x8x128xf32, #tpu.memory_space<vmem>> -> memref<8x128xf32, #tpu.memory_space<vmem>>
    %dma_start3A_167 = arith.constant 0 : i32
    %dma_start3A_168 = tpu.memref_slice %arg4[%dma_start3A_167, %multiple_of3A_151] : memref<32x1000000xf32, #tpu.memory_space<hbm>> -> memref<8x128xf32, #tpu.memory_space<hbm>>
    %dma_start3A_169 = tpu.memref_slice %arg12[%dma_start3A_162] : memref<8x!tpu.dma_semaphore, #tpu.memory_space<semaphore_mem>> -> memref<1x!tpu.dma_semaphore, #tpu.memory_space<semaphore_mem>>
    %dma_start3A_170 = tpu.memref_squeeze %dma_start3A_169 : memref<1x!tpu.dma_semaphore, #tpu.memory_space<semaphore_mem>> -> memref<!tpu.dma_semaphore, #tpu.memory_space<semaphore_mem>>
    %dma_start3A_171 = arith.constant 0 : i32
    %dma_start3A_172 = arith.constant 0 : i32
    %dma_start3A_173 = tpu.memref_slice %arg9[%dma_start3A_161, %dma_start3A_171, %dma_start3A_172] : memref<8x32x128xf32, #tpu.memory_space<vmem>> -> memref<1x8x128xf32, #tpu.memory_space<vmem>>
    %dma_start3A_174 = tpu.memref_squeeze %dma_start3A_173 : memref<1x8x128xf32, #tpu.memory_space<vmem>> -> memref<8x128xf32, #tpu.memory_space<vmem>>
    %dma_start3A_175 = arith.constant 0 : i32
    %dma_start3A_176 = tpu.memref_slice %arg4[%dma_start3A_175, %multiple_of3A_151] : memref<32x1000000xf32, #tpu.memory_space<hbm>> -> memref<8x128xf32, #tpu.memory_space<hbm>>
    tpu.enqueue_dma source(%dma_start3A_176 : memref<8x128xf32, #tpu.memory_space<hbm>>) target(%dma_start3A_174 : memref<8x128xf32, #tpu.memory_space<vmem>>) target_semaphore(%dma_start3A_170 : memref<!tpu.dma_semaphore, #tpu.memory_space<semaphore_mem>>)
    %dma_start3A_177 = arith.constant 1 : i32
    %dma_start3A_178 = arith.constant 1 : i32
    %dma_start3A_179 = arith.constant 0 : i32
    %dma_start3A_180 = arith.constant 0 : i32
    %dma_start3A_181 = tpu.memref_slice %arg10[%dma_start3A_177, %dma_start3A_179, %dma_start3A_180] : memref<8x32x128xf32, #tpu.memory_space<vmem>> -> memref<1x8x128xf32, #tpu.memory_space<vmem>>
    %dma_start3A_182 = tpu.memref_squeeze %dma_start3A_181 : memref<1x8x128xf32, #tpu.memory_space<vmem>> -> memref<8x128xf32, #tpu.memory_space<vmem>>
    %dma_start3A_183 = arith.constant 0 : i32
    %dma_start3A_184 = tpu.memref_slice %arg5[%dma_start3A_183, %multiple_of3A_160] : memref<32x1000000xf32, #tpu.memory_space<hbm>> -> memref<8x128xf32, #tpu.memory_space<hbm>>
    %dma_start3A_185 = tpu.memref_slice %arg13[%dma_start3A_178] : memref<8x!tpu.dma_semaphore, #tpu.memory_space<semaphore_mem>> -> memref<1x!tpu.dma_semaphore, #tpu.memory_space<semaphore_mem>>
    %dma_start3A_186 = tpu.memref_squeeze %dma_start3A_185 : memref<1x!tpu.dma_semaphore, #tpu.memory_space<semaphore_mem>> -> memref<!tpu.dma_semaphore, #tpu.memory_space<semaphore_mem>>
    %dma_start3A_187 = arith.constant 0 : i32
    %dma_start3A_188 = arith.constant 0 : i32
    %dma_start3A_189 = tpu.memref_slice %arg10[%dma_start3A_177, %dma_start3A_187, %dma_start3A_188] : memref<8x32x128xf32, #tpu.memory_space<vmem>> -> memref<1x8x128xf32, #tpu.memory_space<vmem>>
    %dma_start3A_190 = tpu.memref_squeeze %dma_start3A_189 : memref<1x8x128xf32, #tpu.memory_space<vmem>> -> memref<8x128xf32, #tpu.memory_space<vmem>>
    %dma_start3A_191 = arith.constant 0 : i32
    %dma_start3A_192 = tpu.memref_slice %arg5[%dma_start3A_191, %multiple_of3A_160] : memref<32x1000000xf32, #tpu.memory_space<hbm>> -> memref<8x128xf32, #tpu.memory_space<hbm>>
    tpu.enqueue_dma source(%dma_start3A_192 : memref<8x128xf32, #tpu.memory_space<hbm>>) target(%dma_start3A_190 : memref<8x128xf32, #tpu.memory_space<vmem>>) target_semaphore(%dma_start3A_186 : memref<!tpu.dma_semaphore, #tpu.memory_space<semaphore_mem>>)
    %dma_start3A_193 = arith.constant 1 : i32
    %dma_start3A_194 = arith.constant 1 : i32
    %dma_start3A_195 = arith.constant 8 : i32
    %dma_start3A_196 = arith.constant 0 : i32
    %dma_start3A_197 = tpu.memref_slice %arg9[%dma_start3A_193, %dma_start3A_195, %dma_start3A_196] : memref<8x32x128xf32, #tpu.memory_space<vmem>> -> memref<1x8x128xf32, #tpu.memory_space<vmem>>
    %dma_start3A_198 = tpu.memref_squeeze %dma_start3A_197 : memref<1x8x128xf32, #tpu.memory_space<vmem>> -> memref<8x128xf32, #tpu.memory_space<vmem>>
    %dma_start3A_199 = arith.constant 8 : i32
    %dma_start3A_200 = tpu.memref_slice %arg4[%dma_start3A_199, %multiple_of3A_151] : memref<32x1000000xf32, #tpu.memory_space<hbm>> -> memref<8x128xf32, #tpu.memory_space<hbm>>
    %dma_start3A_201 = tpu.memref_slice %arg12[%dma_start3A_194] : memref<8x!tpu.dma_semaphore, #tpu.memory_space<semaphore_mem>> -> memref<1x!tpu.dma_semaphore, #tpu.memory_space<semaphore_mem>>
    %dma_start3A_202 = tpu.memref_squeeze %dma_start3A_201 : memref<1x!tpu.dma_semaphore, #tpu.memory_space<semaphore_mem>> -> memref<!tpu.dma_semaphore, #tpu.memory_space<semaphore_mem>>
    %dma_start3A_203 = arith.constant 8 : i32
    %dma_start3A_204 = arith.constant 0 : i32
    %dma_start3A_205 = tpu.memref_slice %arg9[%dma_start3A_193, %dma_start3A_203, %dma_start3A_204] : memref<8x32x128xf32, #tpu.memory_space<vmem>> -> memref<1x8x128xf32, #tpu.memory_space<vmem>>
    %dma_start3A_206 = tpu.memref_squeeze %dma_start3A_205 : memref<1x8x128xf32, #tpu.memory_space<vmem>> -> memref<8x128xf32, #tpu.memory_space<vmem>>
    %dma_start3A_207 = arith.constant 8 : i32
    %dma_start3A_208 = tpu.memref_slice %arg4[%dma_start3A_207, %multiple_of3A_151] : memref<32x1000000xf32, #tpu.memory_space<hbm>> -> memref<8x128xf32, #tpu.memory_space<hbm>>
    tpu.enqueue_dma source(%dma_start3A_208 : memref<8x128xf32, #tpu.memory_space<hbm>>) target(%dma_start3A_206 : memref<8x128xf32, #tpu.memory_space<vmem>>) target_semaphore(%dma_start3A_202 : memref<!tpu.dma_semaphore, #tpu.memory_space<semaphore_mem>>)
    %dma_start3A_209 = arith.constant 1 : i32
    %dma_start3A_210 = arith.constant 1 : i32
    %dma_start3A_211 = arith.constant 8 : i32
    %dma_start3A_212 = arith.constant 0 : i32
    %dma_start3A_213 = tpu.memref_slice %arg10[%dma_start3A_209, %dma_start3A_211, %dma_start3A_212] : memref<8x32x128xf32, #tpu.memory_space<vmem>> -> memref<1x8x128xf32, #tpu.memory_space<vmem>>
    %dma_start3A_214 = tpu.memref_squeeze %dma_start3A_213 : memref<1x8x128xf32, #tpu.memory_space<vmem>> -> memref<8x128xf32, #tpu.memory_space<vmem>>
    %dma_start3A_215 = arith.constant 8 : i32
    %dma_start3A_216 = tpu.memref_slice %arg5[%dma_start3A_215, %multiple_of3A_160] : memref<32x1000000xf32, #tpu.memory_space<hbm>> -> memref<8x128xf32, #tpu.memory_space<hbm>>
    %dma_start3A_217 = tpu.memref_slice %arg13[%dma_start3A_210] : memref<8x!tpu.dma_semaphore, #tpu.memory_space<semaphore_mem>> -> memref<1x!tpu.dma_semaphore, #tpu.memory_space<semaphore_mem>>
    %dma_start3A_218 = tpu.memref_squeeze %dma_start3A_217 : memref<1x!tpu.dma_semaphore, #tpu.memory_space<semaphore_mem>> -> memref<!tpu.dma_semaphore, #tpu.memory_space<semaphore_mem>>
    %dma_start3A_219 = arith.constant 8 : i32
    %dma_start3A_220 = arith.constant 0 : i32
    %dma_start3A_221 = tpu.memref_slice %arg10[%dma_start3A_209, %dma_start3A_219, %dma_start3A_220] : memref<8x32x128xf32, #tpu.memory_space<vmem>> -> memref<1x8x128xf32, #tpu.memory_space<vmem>>
    %dma_start3A_222 = tpu.memref_squeeze %dma_start3A_221 : memref<1x8x128xf32, #tpu.memory_space<vmem>> -> memref<8x128xf32, #tpu.memory_space<vmem>>
    %dma_start3A_223 = arith.constant 8 : i32
    %dma_start3A_224 = tpu.memref_slice %arg5[%dma_start3A_223, %multiple_of3A_160] : memref<32x1000000xf32, #tpu.memory_space<hbm>> -> memref<8x128xf32, #tpu.memory_space<hbm>>
    tpu.enqueue_dma source(%dma_start3A_224 : memref<8x128xf32, #tpu.memory_space<hbm>>) target(%dma_start3A_222 : memref<8x128xf32, #tpu.memory_space<vmem>>) target_semaphore(%dma_start3A_218 : memref<!tpu.dma_semaphore, #tpu.memory_space<semaphore_mem>>)
    %dma_start3A_225 = arith.constant 1 : i32
    %dma_start3A_226 = arith.constant 1 : i32
    %dma_start3A_227 = arith.constant 16 : i32
    %dma_start3A_228 = arith.constant 0 : i32
    %dma_start3A_229 = tpu.memref_slice %arg9[%dma_start3A_225, %dma_start3A_227, %dma_start3A_228] : memref<8x32x128xf32, #tpu.memory_space<vmem>> -> memref<1x8x128xf32, #tpu.memory_space<vmem>>
    %dma_start3A_230 = tpu.memref_squeeze %dma_start3A_229 : memref<1x8x128xf32, #tpu.memory_space<vmem>> -> memref<8x128xf32, #tpu.memory_space<vmem>>
    %dma_start3A_231 = arith.constant 16 : i32
    %dma_start3A_232 = tpu.memref_slice %arg4[%dma_start3A_231, %multiple_of3A_151] : memref<32x1000000xf32, #tpu.memory_space<hbm>> -> memref<8x128xf32, #tpu.memory_space<hbm>>
    %dma_start3A_233 = tpu.memref_slice %arg12[%dma_start3A_226] : memref<8x!tpu.dma_semaphore, #tpu.memory_space<semaphore_mem>> -> memref<1x!tpu.dma_semaphore, #tpu.memory_space<semaphore_mem>>
    %dma_start3A_234 = tpu.memref_squeeze %dma_start3A_233 : memref<1x!tpu.dma_semaphore, #tpu.memory_space<semaphore_mem>> -> memref<!tpu.dma_semaphore, #tpu.memory_space<semaphore_mem>>
    %dma_start3A_235 = arith.constant 16 : i32
    %dma_start3A_236 = arith.constant 0 : i32
    %dma_start3A_237 = tpu.memref_slice %arg9[%dma_start3A_225, %dma_start3A_235, %dma_start3A_236] : memref<8x32x128xf32, #tpu.memory_space<vmem>> -> memref<1x8x128xf32, #tpu.memory_space<vmem>>
    %dma_start3A_238 = tpu.memref_squeeze %dma_start3A_237 : memref<1x8x128xf32, #tpu.memory_space<vmem>> -> memref<8x128xf32, #tpu.memory_space<vmem>>
    %dma_start3A_239 = arith.constant 16 : i32
    %dma_start3A_240 = tpu.memref_slice %arg4[%dma_start3A_239, %multiple_of3A_151] : memref<32x1000000xf32, #tpu.memory_space<hbm>> -> memref<8x128xf32, #tpu.memory_space<hbm>>
    tpu.enqueue_dma source(%dma_start3A_240 : memref<8x128xf32, #tpu.memory_space<hbm>>) target(%dma_start3A_238 : memref<8x128xf32, #tpu.memory_space<vmem>>) target_semaphore(%dma_start3A_234 : memref<!tpu.dma_semaphore, #tpu.memory_space<semaphore_mem>>)
    %dma_start3A_241 = arith.constant 1 : i32
    %dma_start3A_242 = arith.constant 1 : i32
    %dma_start3A_243 = arith.constant 16 : i32
    %dma_start3A_244 = arith.constant 0 : i32
    %dma_start3A_245 = tpu.memref_slice %arg10[%dma_start3A_241, %dma_start3A_243, %dma_start3A_244] : memref<8x32x128xf32, #tpu.memory_space<vmem>> -> memref<1x8x128xf32, #tpu.memory_space<vmem>>
    %dma_start3A_246 = tpu.memref_squeeze %dma_start3A_245 : memref<1x8x128xf32, #tpu.memory_space<vmem>> -> memref<8x128xf32, #tpu.memory_space<vmem>>
    %dma_start3A_247 = arith.constant 16 : i32
    %dma_start3A_248 = tpu.memref_slice %arg5[%dma_start3A_247, %multiple_of3A_160] : memref<32x1000000xf32, #tpu.memory_space<hbm>> -> memref<8x128xf32, #tpu.memory_space<hbm>>
    %dma_start3A_249 = tpu.memref_slice %arg13[%dma_start3A_242] : memref<8x!tpu.dma_semaphore, #tpu.memory_space<semaphore_mem>> -> memref<1x!tpu.dma_semaphore, #tpu.memory_space<semaphore_mem>>
    %dma_start3A_250 = tpu.memref_squeeze %dma_start3A_249 : memref<1x!tpu.dma_semaphore, #tpu.memory_space<semaphore_mem>> -> memref<!tpu.dma_semaphore, #tpu.memory_space<semaphore_mem>>
    %dma_start3A_251 = arith.constant 16 : i32
    %dma_start3A_252 = arith.constant 0 : i32
    %dma_start3A_253 = tpu.memref_slice %arg10[%dma_start3A_241, %dma_start3A_251, %dma_start3A_252] : memref<8x32x128xf32, #tpu.memory_space<vmem>> -> memref<1x8x128xf32, #tpu.memory_space<vmem>>
    %dma_start3A_254 = tpu.memref_squeeze %dma_start3A_253 : memref<1x8x128xf32, #tpu.memory_space<vmem>> -> memref<8x128xf32, #tpu.memory_space<vmem>>
    %dma_start3A_255 = arith.constant 16 : i32
    %dma_start3A_256 = tpu.memref_slice %arg5[%dma_start3A_255, %multiple_of3A_160] : memref<32x1000000xf32, #tpu.memory_space<hbm>> -> memref<8x128xf32, #tpu.memory_space<hbm>>
    tpu.enqueue_dma source(%dma_start3A_256 : memref<8x128xf32, #tpu.memory_space<hbm>>) target(%dma_start3A_254 : memref<8x128xf32, #tpu.memory_space<vmem>>) target_semaphore(%dma_start3A_250 : memref<!tpu.dma_semaphore, #tpu.memory_space<semaphore_mem>>)
    %dma_start3A_257 = arith.constant 1 : i32
    %dma_start3A_258 = arith.constant 1 : i32
    %dma_start3A_259 = arith.constant 24 : i32
    %dma_start3A_260 = arith.constant 0 : i32
    %dma_start3A_261 = tpu.memref_slice %arg9[%dma_start3A_257, %dma_start3A_259, %dma_start3A_260] : memref<8x32x128xf32, #tpu.memory_space<vmem>> -> memref<1x8x128xf32, #tpu.memory_space<vmem>>
    %dma_start3A_262 = tpu.memref_squeeze %dma_start3A_261 : memref<1x8x128xf32, #tpu.memory_space<vmem>> -> memref<8x128xf32, #tpu.memory_space<vmem>>
    %dma_start3A_263 = arith.constant 24 : i32
    %dma_start3A_264 = tpu.memref_slice %arg4[%dma_start3A_263, %multiple_of3A_151] : memref<32x1000000xf32, #tpu.memory_space<hbm>> -> memref<8x128xf32, #tpu.memory_space<hbm>>
    %dma_start3A_265 = tpu.memref_slice %arg12[%dma_start3A_258] : memref<8x!tpu.dma_semaphore, #tpu.memory_space<semaphore_mem>> -> memref<1x!tpu.dma_semaphore, #tpu.memory_space<semaphore_mem>>
    %dma_start3A_266 = tpu.memref_squeeze %dma_start3A_265 : memref<1x!tpu.dma_semaphore, #tpu.memory_space<semaphore_mem>> -> memref<!tpu.dma_semaphore, #tpu.memory_space<semaphore_mem>>
    %dma_start3A_267 = arith.constant 24 : i32
    %dma_start3A_268 = arith.constant 0 : i32
    %dma_start3A_269 = tpu.memref_slice %arg9[%dma_start3A_257, %dma_start3A_267, %dma_start3A_268] : memref<8x32x128xf32, #tpu.memory_space<vmem>> -> memref<1x8x128xf32, #tpu.memory_space<vmem>>
    %dma_start3A_270 = tpu.memref_squeeze %dma_start3A_269 : memref<1x8x128xf32, #tpu.memory_space<vmem>> -> memref<8x128xf32, #tpu.memory_space<vmem>>
    %dma_start3A_271 = arith.constant 24 : i32
    %dma_start3A_272 = tpu.memref_slice %arg4[%dma_start3A_271, %multiple_of3A_151] : memref<32x1000000xf32, #tpu.memory_space<hbm>> -> memref<8x128xf32, #tpu.memory_space<hbm>>
    tpu.enqueue_dma source(%dma_start3A_272 : memref<8x128xf32, #tpu.memory_space<hbm>>) target(%dma_start3A_270 : memref<8x128xf32, #tpu.memory_space<vmem>>) target_semaphore(%dma_start3A_266 : memref<!tpu.dma_semaphore, #tpu.memory_space<semaphore_mem>>)
    %dma_start3A_273 = arith.constant 1 : i32
    %dma_start3A_274 = arith.constant 1 : i32
    %dma_start3A_275 = arith.constant 24 : i32
    %dma_start3A_276 = arith.constant 0 : i32
    %dma_start3A_277 = tpu.memref_slice %arg10[%dma_start3A_273, %dma_start3A_275, %dma_start3A_276] : memref<8x32x128xf32, #tpu.memory_space<vmem>> -> memref<1x8x128xf32, #tpu.memory_space<vmem>>
    %dma_start3A_278 = tpu.memref_squeeze %dma_start3A_277 : memref<1x8x128xf32, #tpu.memory_space<vmem>> -> memref<8x128xf32, #tpu.memory_space<vmem>>
    %dma_start3A_279 = arith.constant 24 : i32
    %dma_start3A_280 = tpu.memref_slice %arg5[%dma_start3A_279, %multiple_of3A_160] : memref<32x1000000xf32, #tpu.memory_space<hbm>> -> memref<8x128xf32, #tpu.memory_space<hbm>>
    %dma_start3A_281 = tpu.memref_slice %arg13[%dma_start3A_274] : memref<8x!tpu.dma_semaphore, #tpu.memory_space<semaphore_mem>> -> memref<1x!tpu.dma_semaphore, #tpu.memory_space<semaphore_mem>>
    %dma_start3A_282 = tpu.memref_squeeze %dma_start3A_281 : memref<1x!tpu.dma_semaphore, #tpu.memory_space<semaphore_mem>> -> memref<!tpu.dma_semaphore, #tpu.memory_space<semaphore_mem>>
    %dma_start3A_283 = arith.constant 24 : i32
    %dma_start3A_284 = arith.constant 0 : i32
    %dma_start3A_285 = tpu.memref_slice %arg10[%dma_start3A_273, %dma_start3A_283, %dma_start3A_284] : memref<8x32x128xf32, #tpu.memory_space<vmem>> -> memref<1x8x128xf32, #tpu.memory_space<vmem>>
    %dma_start3A_286 = tpu.memref_squeeze %dma_start3A_285 : memref<1x8x128xf32, #tpu.memory_space<vmem>> -> memref<8x128xf32, #tpu.memory_space<vmem>>
    %dma_start3A_287 = arith.constant 24 : i32
    %dma_start3A_288 = tpu.memref_slice %arg5[%dma_start3A_287, %multiple_of3A_160] : memref<32x1000000xf32, #tpu.memory_space<hbm>> -> memref<8x128xf32, #tpu.memory_space<hbm>>
    tpu.enqueue_dma source(%dma_start3A_288 : memref<8x128xf32, #tpu.memory_space<hbm>>) target(%dma_start3A_286 : memref<8x128xf32, #tpu.memory_space<vmem>>) target_semaphore(%dma_start3A_282 : memref<!tpu.dma_semaphore, #tpu.memory_space<semaphore_mem>>)
    %get3A_289 = arith.constant 2 : index
    %get3A_290 = tpu.vector_load %arg7[%get3A_289] {strides = array<i32>} : memref<528xi32, #tpu.memory_space<vmem>>, vector<16xi32>,
    %slice3A_291 = vector.extract_strided_slice %get3A_290 {offsets = [0], sizes = [1], strides = [1]} : vector<16xi32> to vector<1xi32>
    %squeeze3A_292 = vector.extract %slice3A_291[0] : i32 from vector<1xi32>
    %shift_right_arithmetic3A_293 = arith.constant 7 : i32
    %shift_right_arithmetic3A_294 = arith.shrsi %squeeze3A_292, %shift_right_arithmetic3A_293 : i32
    %mul3A_295 = arith.constant 128 : i32
    %mul3A_296 = arith.muli %shift_right_arithmetic3A_294, %mul3A_295 : i32
    %multiple_of3A_297 = tpu.assume_multiple %mul3A_296, 128 : i32
    %get3A_298 = arith.constant 2 : index
    %get3A_299 = tpu.vector_load %arg8[%get3A_298] {strides = array<i32>} : memref<528xi32, #tpu.memory_space<vmem>>, vector<16xi32>,
    %slice3A_300 = vector.extract_strided_slice %get3A_299 {offsets = [0], sizes = [1], strides = [1]} : vector<16xi32> to vector<1xi32>
    %squeeze3A_301 = vector.extract %slice3A_300[0] : i32 from vector<1xi32>
    %shift_right_arithmetic3A_302 = arith.constant 7 : i32
    %shift_right_arithmetic3A_303 = arith.shrsi %squeeze3A_301, %shift_right_arithmetic3A_302 : i32
    %mul3A_304 = arith.constant 128 : i32
    %mul3A_305 = arith.muli %shift_right_arithmetic3A_303, %mul3A_304 : i32
    %multiple_of3A_306 = tpu.assume_multiple %mul3A_305, 128 : i32
    %dma_start3A_307 = arith.constant 2 : i32
    %dma_start3A_308 = arith.constant 2 : i32
    %dma_start3A_309 = arith.constant 0 : i32
    %dma_start3A_310 = arith.constant 0 : i32
    %dma_start3A_311 = tpu.memref_slice %arg9[%dma_start3A_307, %dma_start3A_309, %dma_start3A_310] : memref<8x32x128xf32, #tpu.memory_space<vmem>> -> memref<1x8x128xf32, #tpu.memory_space<vmem>>
    %dma_start3A_312 = tpu.memref_squeeze %dma_start3A_311 : memref<1x8x128xf32, #tpu.memory_space<vmem>> -> memref<8x128xf32, #tpu.memory_space<vmem>>
    %dma_start3A_313 = arith.constant 0 : i32
    %dma_start3A_314 = tpu.memref_slice %arg4[%dma_start3A_313, %multiple_of3A_297] : memref<32x1000000xf32, #tpu.memory_space<hbm>> -> memref<8x128xf32, #tpu.memory_space<hbm>>
    %dma_start3A_315 = tpu.memref_slice %arg12[%dma_start3A_308] : memref<8x!tpu.dma_semaphore, #tpu.memory_space<semaphore_mem>> -> memref<1x!tpu.dma_semaphore, #tpu.memory_space<semaphore_mem>>
    %dma_start3A_316 = tpu.memref_squeeze %dma_start3A_315 : memref<1x!tpu.dma_semaphore, #tpu.memory_space<semaphore_mem>> -> memref<!tpu.dma_semaphore, #tpu.memory_space<semaphore_mem>>
    %dma_start3A_317 = arith.constant 0 : i32
    %dma_start3A_318 = arith.constant 0 : i32
    %dma_start3A_319 = tpu.memref_slice %arg9[%dma_start3A_307, %dma_start3A_317, %dma_start3A_318] : memref<8x32x128xf32, #tpu.memory_space<vmem>> -> memref<1x8x128xf32, #tpu.memory_space<vmem>>
    %dma_start3A_320 = tpu.memref_squeeze %dma_start3A_319 : memref<1x8x128xf32, #tpu.memory_space<vmem>> -> memref<8x128xf32, #tpu.memory_space<vmem>>
    %dma_start3A_321 = arith.constant 0 : i32
    %dma_start3A_322 = tpu.memref_slice %arg4[%dma_start3A_321, %multiple_of3A_297] : memref<32x1000000xf32, #tpu.memory_space<hbm>> -> memref<8x128xf32, #tpu.memory_space<hbm>>
    tpu.enqueue_dma source(%dma_start3A_322 : memref<8x128xf32, #tpu.memory_space<hbm>>) target(%dma_start3A_320 : memref<8x128xf32, #tpu.memory_space<vmem>>) target_semaphore(%dma_start3A_316 : memref<!tpu.dma_semaphore, #tpu.memory_space<semaphore_mem>>)
    %dma_start3A_323 = arith.constant 2 : i32
    %dma_start3A_324 = arith.constant 2 : i32
    %dma_start3A_325 = arith.constant 0 : i32
    %dma_start3A_326 = arith.constant 0 : i32
    %dma_start3A_327 = tpu.memref_slice %arg10[%dma_start3A_323, %dma_start3A_325, %dma_start3A_326] : memref<8x32x128xf32, #tpu.memory_space<vmem>> -> memref<1x8x128xf32, #tpu.memory_space<vmem>>
    %dma_start3A_328 = tpu.memref_squeeze %dma_start3A_327 : memref<1x8x128xf32, #tpu.memory_space<vmem>> -> memref<8x128xf32, #tpu.memory_space<vmem>>
    %dma_start3A_329 = arith.constant 0 : i32
    %dma_start3A_330 = tpu.memref_slice %arg5[%dma_start3A_329, %multiple_of3A_306] : memref<32x1000000xf32, #tpu.memory_space<hbm>> -> memref<8x128xf32, #tpu.memory_space<hbm>>
    %dma_start3A_331 = tpu.memref_slice %arg13[%dma_start3A_324] : memref<8x!tpu.dma_semaphore, #tpu.memory_space<semaphore_mem>> -> memref<1x!tpu.dma_semaphore, #tpu.memory_space<semaphore_mem>>
    %dma_start3A_332 = tpu.memref_squeeze %dma_start3A_331 : memref<1x!tpu.dma_semaphore, #tpu.memory_space<semaphore_mem>> -> memref<!tpu.dma_semaphore, #tpu.memory_space<semaphore_mem>>
    %dma_start3A_333 = arith.constant 0 : i32
    %dma_start3A_334 = arith.constant 0 : i32
    %dma_start3A_335 = tpu.memref_slice %arg10[%dma_start3A_323, %dma_start3A_333, %dma_start3A_334] : memref<8x32x128xf32, #tpu.memory_space<vmem>> -> memref<1x8x128xf32, #tpu.memory_space<vmem>>
    %dma_start3A_336 = tpu.memref_squeeze %dma_start3A_335 : memref<1x8x128xf32, #tpu.memory_space<vmem>> -> memref<8x128xf32, #tpu.memory_space<vmem>>
    %dma_start3A_337 = arith.constant 0 : i32
    %dma_start3A_338 = tpu.memref_slice %arg5[%dma_start3A_337, %multiple_of3A_306] : memref<32x1000000xf32, #tpu.memory_space<hbm>> -> memref<8x128xf32, #tpu.memory_space<hbm>>
    tpu.enqueue_dma source(%dma_start3A_338 : memref<8x128xf32, #tpu.memory_space<hbm>>) target(%dma_start3A_336 : memref<8x128xf32, #tpu.memory_space<vmem>>) target_semaphore(%dma_start3A_332 : memref<!tpu.dma_semaphore, #tpu.memory_space<semaphore_mem>>)
    %dma_start3A_339 = arith.constant 2 : i32
    %dma_start3A_340 = arith.constant 2 : i32
    %dma_start3A_341 = arith.constant 8 : i32
    %dma_start3A_342 = arith.constant 0 : i32
    %dma_start3A_343 = tpu.memref_slice %arg9[%dma_start3A_339, %dma_start3A_341, %dma_start3A_342] : memref<8x32x128xf32, #tpu.memory_space<vmem>> -> memref<1x8x128xf32, #tpu.memory_space<vmem>>
    %dma_start3A_344 = tpu.memref_squeeze %dma_start3A_343 : memref<1x8x128xf32, #tpu.memory_space<vmem>> -> memref<8x128xf32, #tpu.memory_space<vmem>>
    %dma_start3A_345 = arith.constant 8 : i32
    %dma_start3A_346 = tpu.memref_slice %arg4[%dma_start3A_345, %multiple_of3A_297] : memref<32x1000000xf32, #tpu.memory_space<hbm>> -> memref<8x128xf32, #tpu.memory_space<hbm>>
    %dma_start3A_347 = tpu.memref_slice %arg12[%dma_start3A_340] : memref<8x!tpu.dma_semaphore, #tpu.memory_space<semaphore_mem>> -> memref<1x!tpu.dma_semaphore, #tpu.memory_space<semaphore_mem>>
    %dma_start3A_348 = tpu.memref_squeeze %dma_start3A_347 : memref<1x!tpu.dma_semaphore, #tpu.memory_space<semaphore_mem>> -> memref<!tpu.dma_semaphore, #tpu.memory_space<semaphore_mem>>
    %dma_start3A_349 = arith.constant 8 : i32
    %dma_start3A_350 = arith.constant 0 : i32
    %dma_start3A_351 = tpu.memref_slice %arg9[%dma_start3A_339, %dma_start3A_349, %dma_start3A_350] : memref<8x32x128xf32, #tpu.memory_space<vmem>> -> memref<1x8x128xf32, #tpu.memory_space<vmem>>
    %dma_start3A_352 = tpu.memref_squeeze %dma_start3A_351 : memref<1x8x128xf32, #tpu.memory_space<vmem>> -> memref<8x128xf32, #tpu.memory_space<vmem>>
    %dma_start3A_353 = arith.constant 8 : i32
    %dma_start3A_354 = tpu.memref_slice %arg4[%dma_start3A_353, %multiple_of3A_297] : memref<32x1000000xf32, #tpu.memory_space<hbm>> -> memref<8x128xf32, #tpu.memory_space<hbm>>
    tpu.enqueue_dma source(%dma_start3A_354 : memref<8x128xf32, #tpu.memory_space<hbm>>) target(%dma_start3A_352 : memref<8x128xf32, #tpu.memory_space<vmem>>) target_semaphore(%dma_start3A_348 : memref<!tpu.dma_semaphore, #tpu.memory_space<semaphore_mem>>)
    %dma_start3A_355 = arith.constant 2 : i32
    %dma_start3A_356 = arith.constant 2 : i32
    %dma_start3A_357 = arith.constant 8 : i32
    %dma_start3A_358 = arith.constant 0 : i32
    %dma_start3A_359 = tpu.memref_slice %arg10[%dma_start3A_355, %dma_start3A_357, %dma_start3A_358] : memref<8x32x128xf32, #tpu.memory_space<vmem>> -> memref<1x8x128xf32, #tpu.memory_space<vmem>>
    %dma_start3A_360 = tpu.memref_squeeze %dma_start3A_359 : memref<1x8x128xf32, #tpu.memory_space<vmem>> -> memref<8x128xf32, #tpu.memory_space<vmem>>
    %dma_start3A_361 = arith.constant 8 : i32
    %dma_start3A_362 = tpu.memref_slice %arg5[%dma_start3A_361, %multiple_of3A_306] : memref<32x1000000xf32, #tpu.memory_space<hbm>> -> memref<8x128xf32, #tpu.memory_space<hbm>>
    %dma_start3A_363 = tpu.memref_slice %arg13[%dma_start3A_356] : memref<8x!tpu.dma_semaphore, #tpu.memory_space<semaphore_mem>> -> memref<1x!tpu.dma_semaphore, #tpu.memory_space<semaphore_mem>>
    %dma_start3A_364 = tpu.memref_squeeze %dma_start3A_363 : memref<1x!tpu.dma_semaphore, #tpu.memory_space<semaphore_mem>> -> memref<!tpu.dma_semaphore, #tpu.memory_space<semaphore_mem>>
    %dma_start3A_365 = arith.constant 8 : i32
    %dma_start3A_366 = arith.constant 0 : i32
    %dma_start3A_367 = tpu.memref_slice %arg10[%dma_start3A_355, %dma_start3A_365, %dma_start3A_366] : memref<8x32x128xf32, #tpu.memory_space<vmem>> -> memref<1x8x128xf32, #tpu.memory_space<vmem>>
    %dma_start3A_368 = tpu.memref_squeeze %dma_start3A_367 : memref<1x8x128xf32, #tpu.memory_space<vmem>> -> memref<8x128xf32, #tpu.memory_space<vmem>>
    %dma_start3A_369 = arith.constant 8 : i32
    %dma_start3A_370 = tpu.memref_slice %arg5[%dma_start3A_369, %multiple_of3A_306] : memref<32x1000000xf32, #tpu.memory_space<hbm>> -> memref<8x128xf32, #tpu.memory_space<hbm>>
    tpu.enqueue_dma source(%dma_start3A_370 : memref<8x128xf32, #tpu.memory_space<hbm>>) target(%dma_start3A_368 : memref<8x128xf32, #tpu.memory_space<vmem>>) target_semaphore(%dma_start3A_364 : memref<!tpu.dma_semaphore, #tpu.memory_space<semaphore_mem>>)
    %dma_start3A_371 = arith.constant 2 : i32
    %dma_start3A_372 = arith.constant 2 : i32
    %dma_start3A_373 = arith.constant 16 : i32
    %dma_start3A_374 = arith.constant 0 : i32
    %dma_start3A_375 = tpu.memref_slice %arg9[%dma_start3A_371, %dma_start3A_373, %dma_start3A_374] : memref<8x32x128xf32, #tpu.memory_space<vmem>> -> memref<1x8x128xf32, #tpu.memory_space<vmem>>
    %dma_start3A_376 = tpu.memref_squeeze %dma_start3A_375 : memref<1x8x128xf32, #tpu.memory_space<vmem>> -> memref<8x128xf32, #tpu.memory_space<vmem>>
    %dma_start3A_377 = arith.constant 16 : i32
    %dma_start3A_378 = tpu.memref_slice %arg4[%dma_start3A_377, %multiple_of3A_297] : memref<32x1000000xf32, #tpu.memory_space<hbm>> -> memref<8x128xf32, #tpu.memory_space<hbm>>
    %dma_start3A_379 = tpu.memref_slice %arg12[%dma_start3A_372] : memref<8x!tpu.dma_semaphore, #tpu.memory_space<semaphore_mem>> -> memref<1x!tpu.dma_semaphore, #tpu.memory_space<semaphore_mem>>
    %dma_start3A_380 = tpu.memref_squeeze %dma_start3A_379 : memref<1x!tpu.dma_semaphore, #tpu.memory_space<semaphore_mem>> -> memref<!tpu.dma_semaphore, #tpu.memory_space<semaphore_mem>>
    %dma_start3A_381 = arith.constant 16 : i32
    %dma_start3A_382 = arith.constant 0 : i32
    %dma_start3A_383 = tpu.memref_slice %arg9[%dma_start3A_371, %dma_start3A_381, %dma_start3A_382] : memref<8x32x128xf32, #tpu.memory_space<vmem>> -> memref<1x8x128xf32, #tpu.memory_space<vmem>>
    %dma_start3A_384 = tpu.memref_squeeze %dma_start3A_383 : memref<1x8x128xf32, #tpu.memory_space<vmem>> -> memref<8x128xf32, #tpu.memory_space<vmem>>
    %dma_start3A_385 = arith.constant 16 : i32
    %dma_start3A_386 = tpu.memref_slice %arg4[%dma_start3A_385, %multiple_of3A_297] : memref<32x1000000xf32, #tpu.memory_space<hbm>> -> memref<8x128xf32, #tpu.memory_space<hbm>>
    tpu.enqueue_dma source(%dma_start3A_386 : memref<8x128xf32, #tpu.memory_space<hbm>>) target(%dma_start3A_384 : memref<8x128xf32, #tpu.memory_space<vmem>>) target_semaphore(%dma_start3A_380 : memref<!tpu.dma_semaphore, #tpu.memory_space<semaphore_mem>>)
    %dma_start3A_387 = arith.constant 2 : i32
    %dma_start3A_388 = arith.constant 2 : i32
    %dma_start3A_389 = arith.constant 16 : i32
    %dma_start3A_390 = arith.constant 0 : i32
    %dma_start3A_391 = tpu.memref_slice %arg10[%dma_start3A_387, %dma_start3A_389, %dma_start3A_390] : memref<8x32x128xf32, #tpu.memory_space<vmem>> -> memref<1x8x128xf32, #tpu.memory_space<vmem>>
    %dma_start3A_392 = tpu.memref_squeeze %dma_start3A_391 : memref<1x8x128xf32, #tpu.memory_space<vmem>> -> memref<8x128xf32, #tpu.memory_space<vmem>>
    %dma_start3A_393 = arith.constant 16 : i32
    %dma_start3A_394 = tpu.memref_slice %arg5[%dma_start3A_393, %multiple_of3A_306] : memref<32x1000000xf32, #tpu.memory_space<hbm>> -> memref<8x128xf32, #tpu.memory_space<hbm>>
    %dma_start3A_395 = tpu.memref_slice %arg13[%dma_start3A_388] : memref<8x!tpu.dma_semaphore, #tpu.memory_space<semaphore_mem>> -> memref<1x!tpu.dma_semaphore, #tpu.memory_space<semaphore_mem>>
    %dma_start3A_396 = tpu.memref_squeeze %dma_start3A_395 : memref<1x!tpu.dma_semaphore, #tpu.memory_space<semaphore_mem>> -> memref<!tpu.dma_semaphore, #tpu.memory_space<semaphore_mem>>
    %dma_start3A_397 = arith.constant 16 : i32
    %dma_start3A_398 = arith.constant 0 : i32
    %dma_start3A_399 = tpu.memref_slice %arg10[%dma_start3A_387, %dma_start3A_397, %dma_start3A_398] : memref<8x32x128xf32, #tpu.memory_space<vmem>> -> memref<1x8x128xf32, #tpu.memory_space<vmem>>
    %dma_start3A_400 = tpu.memref_squeeze %dma_start3A_399 : memref<1x8x128xf32, #tpu.memory_space<vmem>> -> memref<8x128xf32, #tpu.memory_space<vmem>>
    %dma_start3A_401 = arith.constant 16 : i32
    %dma_start3A_402 = tpu.memref_slice %arg5[%dma_start3A_401, %multiple_of3A_306] : memref<32x1000000xf32, #tpu.memory_space<hbm>> -> memref<8x128xf32, #tpu.memory_space<hbm>>
    tpu.enqueue_dma source(%dma_start3A_402 : memref<8x128xf32, #tpu.memory_space<hbm>>) target(%dma_start3A_400 : memref<8x128xf32, #tpu.memory_space<vmem>>) target_semaphore(%dma_start3A_396 : memref<!tpu.dma_semaphore, #tpu.memory_space<semaphore_mem>>)
    %dma_start3A_403 = arith.constant 2 : i32
    %dma_start3A_404 = arith.constant 2 : i32
    %dma_start3A_405 = arith.constant 24 : i32
    %dma_start3A_406 = arith.constant 0 : i32
    %dma_start3A_407 = tpu.memref_slice %arg9[%dma_start3A_403, %dma_start3A_405, %dma_start3A_406] : memref<8x32x128xf32, #tpu.memory_space<vmem>> -> memref<1x8x128xf32, #tpu.memory_space<vmem>>
    %dma_start3A_408 = tpu.memref_squeeze %dma_start3A_407 : memref<1x8x128xf32, #tpu.memory_space<vmem>> -> memref<8x128xf32, #tpu.memory_space<vmem>>
    %dma_start3A_409 = arith.constant 24 : i32
    %dma_start3A_410 = tpu.memref_slice %arg4[%dma_start3A_409, %multiple_of3A_297] : memref<32x1000000xf32, #tpu.memory_space<hbm>> -> memref<8x128xf32, #tpu.memory_space<hbm>>
    %dma_start3A_411 = tpu.memref_slice %arg12[%dma_start3A_404] : memref<8x!tpu.dma_semaphore, #tpu.memory_space<semaphore_mem>> -> memref<1x!tpu.dma_semaphore, #tpu.memory_space<semaphore_mem>>
    %dma_start3A_412 = tpu.memref_squeeze %dma_start3A_411 : memref<1x!tpu.dma_semaphore, #tpu.memory_space<semaphore_mem>> -> memref<!tpu.dma_semaphore, #tpu.memory_space<semaphore_mem>>
    %dma_start3A_413 = arith.constant 24 : i32
    %dma_start3A_414 = arith.constant 0 : i32
    %dma_start3A_415 = tpu.memref_slice %arg9[%dma_start3A_403, %dma_start3A_413, %dma_start3A_414] : memref<8x32x128xf32, #tpu.memory_space<vmem>> -> memref<1x8x128xf32, #tpu.memory_space<vmem>>
    %dma_start3A_416 = tpu.memref_squeeze %dma_start3A_415 : memref<1x8x128xf32, #tpu.memory_space<vmem>> -> memref<8x128xf32, #tpu.memory_space<vmem>>
    %dma_start3A_417 = arith.constant 24 : i32
    %dma_start3A_418 = tpu.memref_slice %arg4[%dma_start3A_417, %multiple_of3A_297] : memref<32x1000000xf32, #tpu.memory_space<hbm>> -> memref<8x128xf32, #tpu.memory_space<hbm>>
    tpu.enqueue_dma source(%dma_start3A_418 : memref<8x128xf32, #tpu.memory_space<hbm>>) target(%dma_start3A_416 : memref<8x128xf32, #tpu.memory_space<vmem>>) target_semaphore(%dma_start3A_412 : memref<!tpu.dma_semaphore, #tpu.memory_space<semaphore_mem>>)
    %dma_start3A_419 = arith.constant 2 : i32
    %dma_start3A_420 = arith.constant 2 : i32
    %dma_start3A_421 = arith.constant 24 : i32
    %dma_start3A_422 = arith.constant 0 : i32
    %dma_start3A_423 = tpu.memref_slice %arg10[%dma_start3A_419, %dma_start3A_421, %dma_start3A_422] : memref<8x32x128xf32, #tpu.memory_space<vmem>> -> memref<1x8x128xf32, #tpu.memory_space<vmem>>
    %dma_start3A_424 = tpu.memref_squeeze %dma_start3A_423 : memref<1x8x128xf32, #tpu.memory_space<vmem>> -> memref<8x128xf32, #tpu.memory_space<vmem>>
    %dma_start3A_425 = arith.constant 24 : i32
    %dma_start3A_426 = tpu.memref_slice %arg5[%dma_start3A_425, %multiple_of3A_306] : memref<32x1000000xf32, #tpu.memory_space<hbm>> -> memref<8x128xf32, #tpu.memory_space<hbm>>
    %dma_start3A_427 = tpu.memref_slice %arg13[%dma_start3A_420] : memref<8x!tpu.dma_semaphore, #tpu.memory_space<semaphore_mem>> -> memref<1x!tpu.dma_semaphore, #tpu.memory_space<semaphore_mem>>
    %dma_start3A_428 = tpu.memref_squeeze %dma_start3A_427 : memref<1x!tpu.dma_semaphore, #tpu.memory_space<semaphore_mem>> -> memref<!tpu.dma_semaphore, #tpu.memory_space<semaphore_mem>>
    %dma_start3A_429 = arith.constant 24 : i32
    %dma_start3A_430 = arith.constant 0 : i32
    %dma_start3A_431 = tpu.memref_slice %arg10[%dma_start3A_419, %dma_start3A_429, %dma_start3A_430] : memref<8x32x128xf32, #tpu.memory_space<vmem>> -> memref<1x8x128xf32, #tpu.memory_space<vmem>>
    %dma_start3A_432 = tpu.memref_squeeze %dma_start3A_431 : memref<1x8x128xf32, #tpu.memory_space<vmem>> -> memref<8x128xf32, #tpu.memory_space<vmem>>
    %dma_start3A_433 = arith.constant 24 : i32
    %dma_start3A_434 = tpu.memref_slice %arg5[%dma_start3A_433, %multiple_of3A_306] : memref<32x1000000xf32, #tpu.memory_space<hbm>> -> memref<8x128xf32, #tpu.memory_space<hbm>>
    tpu.enqueue_dma source(%dma_start3A_434 : memref<8x128xf32, #tpu.memory_space<hbm>>) target(%dma_start3A_432 : memref<8x128xf32, #tpu.memory_space<vmem>>) target_semaphore(%dma_start3A_428 : memref<!tpu.dma_semaphore, #tpu.memory_space<semaphore_mem>>)
    %get3A_435 = arith.constant 3 : index
    %get3A_436 = tpu.vector_load %arg7[%get3A_435] {strides = array<i32>} : memref<528xi32, #tpu.memory_space<vmem>>, vector<16xi32>,
    %slice3A_437 = vector.extract_strided_slice %get3A_436 {offsets = [0], sizes = [1], strides = [1]} : vector<16xi32> to vector<1xi32>
    %squeeze3A_438 = vector.extract %slice3A_437[0] : i32 from vector<1xi32>
    %shift_right_arithmetic3A_439 = arith.constant 7 : i32
    %shift_right_arithmetic3A_440 = arith.shrsi %squeeze3A_438, %shift_right_arithmetic3A_439 : i32
    %mul3A_441 = arith.constant 128 : i32
    %mul3A_442 = arith.muli %shift_right_arithmetic3A_440, %mul3A_441 : i32
    %multiple_of3A_443 = tpu.assume_multiple %mul3A_442, 128 : i32
    %get3A_444 = arith.constant 3 : index
    %get3A_445 = tpu.vector_load %arg8[%get3A_444] {strides = array<i32>} : memref<528xi32, #tpu.memory_space<vmem>>, vector<16xi32>,
    %slice3A_446 = vector.extract_strided_slice %get3A_445 {offsets = [0], sizes = [1], strides = [1]} : vector<16xi32> to vector<1xi32>
    %squeeze3A_447 = vector.extract %slice3A_446[0] : i32 from vector<1xi32>
    %shift_right_arithmetic3A_448 = arith.constant 7 : i32
    %shift_right_arithmetic3A_449 = arith.shrsi %squeeze3A_447, %shift_right_arithmetic3A_448 : i32
    %mul3A_450 = arith.constant 128 : i32
    %mul3A_451 = arith.muli %shift_right_arithmetic3A_449, %mul3A_450 : i32
    %multiple_of3A_452 = tpu.assume_multiple %mul3A_451, 128 : i32
    %dma_start3A_453 = arith.constant 3 : i32
    %dma_start3A_454 = arith.constant 3 : i32
    %dma_start3A_455 = arith.constant 0 : i32
    %dma_start3A_456 = arith.constant 0 : i32
    %dma_start3A_457 = tpu.memref_slice %arg9[%dma_start3A_453, %dma_start3A_455, %dma_start3A_456] : memref<8x32x128xf32, #tpu.memory_space<vmem>> -> memref<1x8x128xf32, #tpu.memory_space<vmem>>
    %dma_start3A_458 = tpu.memref_squeeze %dma_start3A_457 : memref<1x8x128xf32, #tpu.memory_space<vmem>> -> memref<8x128xf32, #tpu.memory_space<vmem>>
    %dma_start3A_459 = arith.constant 0 : i32
    %dma_start3A_460 = tpu.memref_slice %arg4[%dma_start3A_459, %multiple_of3A_443] : memref<32x1000000xf32, #tpu.memory_space<hbm>> -> memref<8x128xf32, #tpu.memory_space<hbm>>
    %dma_start3A_461 = tpu.memref_slice %arg12[%dma_start3A_454] : memref<8x!tpu.dma_semaphore, #tpu.memory_space<semaphore_mem>> -> memref<1x!tpu.dma_semaphore, #tpu.memory_space<semaphore_mem>>
    %dma_start3A_462 = tpu.memref_squeeze %dma_start3A_461 : memref<1x!tpu.dma_semaphore, #tpu.memory_space<semaphore_mem>> -> memref<!tpu.dma_semaphore, #tpu.memory_space<semaphore_mem>>
    %dma_start3A_463 = arith.constant 0 : i32
    %dma_start3A_464 = arith.constant 0 : i32
    %dma_start3A_465 = tpu.memref_slice %arg9[%dma_start3A_453, %dma_start3A_463, %dma_start3A_464] : memref<8x32x128xf32, #tpu.memory_space<vmem>> -> memref<1x8x128xf32, #tpu.memory_space<vmem>>
    %dma_start3A_466 = tpu.memref_squeeze %dma_start3A_465 : memref<1x8x128xf32, #tpu.memory_space<vmem>> -> memref<8x128xf32, #tpu.memory_space<vmem>>
    %dma_start3A_467 = arith.constant 0 : i32
    %dma_start3A_468 = tpu.memref_slice %arg4[%dma_start3A_467, %multiple_of3A_443] : memref<32x1000000xf32, #tpu.memory_space<hbm>> -> memref<8x128xf32, #tpu.memory_space<hbm>>
    tpu.enqueue_dma source(%dma_start3A_468 : memref<8x128xf32, #tpu.memory_space<hbm>>) target(%dma_start3A_466 : memref<8x128xf32, #tpu.memory_space<vmem>>) target_semaphore(%dma_start3A_462 : memref<!tpu.dma_semaphore, #tpu.memory_space<semaphore_mem>>)
    %dma_start3A_469 = arith.constant 3 : i32
    %dma_start3A_470 = arith.constant 3 : i32
    %dma_start3A_471 = arith.constant 0 : i32
    %dma_start3A_472 = arith.constant 0 : i32
    %dma_start3A_473 = tpu.memref_slice %arg10[%dma_start3A_469, %dma_start3A_471, %dma_start3A_472] : memref<8x32x128xf32, #tpu.memory_space<vmem>> -> memref<1x8x128xf32, #tpu.memory_space<vmem>>
    %dma_start3A_474 = tpu.memref_squeeze %dma_start3A_473 : memref<1x8x128xf32, #tpu.memory_space<vmem>> -> memref<8x128xf32, #tpu.memory_space<vmem>>
    %dma_start3A_475 = arith.constant 0 : i32
    %dma_start3A_476 = tpu.memref_slice %arg5[%dma_start3A_475, %multiple_of3A_452] : memref<32x1000000xf32, #tpu.memory_space<hbm>> -> memref<8x128xf32, #tpu.memory_space<hbm>>
    %dma_start3A_477 = tpu.memref_slice %arg13[%dma_start3A_470] : memref<8x!tpu.dma_semaphore, #tpu.memory_space<semaphore_mem>> -> memref<1x!tpu.dma_semaphore, #tpu.memory_space<semaphore_mem>>
    %dma_start3A_478 = tpu.memref_squeeze %dma_start3A_477 : memref<1x!tpu.dma_semaphore, #tpu.memory_space<semaphore_mem>> -> memref<!tpu.dma_semaphore, #tpu.memory_space<semaphore_mem>>
    %dma_start3A_479 = arith.constant 0 : i32
    %dma_start3A_480 = arith.constant 0 : i32
    %dma_start3A_481 = tpu.memref_slice %arg10[%dma_start3A_469, %dma_start3A_479, %dma_start3A_480] : memref<8x32x128xf32, #tpu.memory_space<vmem>> -> memref<1x8x128xf32, #tpu.memory_space<vmem>>
    %dma_start3A_482 = tpu.memref_squeeze %dma_start3A_481 : memref<1x8x128xf32, #tpu.memory_space<vmem>> -> memref<8x128xf32, #tpu.memory_space<vmem>>
    %dma_start3A_483 = arith.constant 0 : i32
    %dma_start3A_484 = tpu.memref_slice %arg5[%dma_start3A_483, %multiple_of3A_452] : memref<32x1000000xf32, #tpu.memory_space<hbm>> -> memref<8x128xf32, #tpu.memory_space<hbm>>
    tpu.enqueue_dma source(%dma_start3A_484 : memref<8x128xf32, #tpu.memory_space<hbm>>) target(%dma_start3A_482 : memref<8x128xf32, #tpu.memory_space<vmem>>) target_semaphore(%dma_start3A_478 : memref<!tpu.dma_semaphore, #tpu.memory_space<semaphore_mem>>)
    %dma_start3A_485 = arith.constant 3 : i32
    %dma_start3A_486 = arith.constant 3 : i32
    %dma_start3A_487 = arith.constant 8 : i32
    %dma_start3A_488 = arith.constant 0 : i32
    %dma_start3A_489 = tpu.memref_slice %arg9[%dma_start3A_485, %dma_start3A_487, %dma_start3A_488] : memref<8x32x128xf32, #tpu.memory_space<vmem>> -> memref<1x8x128xf32, #tpu.memory_space<vmem>>
    %dma_start3A_490 = tpu.memref_squeeze %dma_start3A_489 : memref<1x8x128xf32, #tpu.memory_space<vmem>> -> memref<8x128xf32, #tpu.memory_space<vmem>>
    %dma_start3A_491 = arith.constant 8 : i32
    %dma_start3A_492 = tpu.memref_slice %arg4[%dma_start3A_491, %multiple_of3A_443] : memref<32x1000000xf32, #tpu.memory_space<hbm>> -> memref<8x128xf32, #tpu.memory_space<hbm>>
    %dma_start3A_493 = tpu.memref_slice %arg12[%dma_start3A_486] : memref<8x!tpu.dma_semaphore, #tpu.memory_space<semaphore_mem>> -> memref<1x!tpu.dma_semaphore, #tpu.memory_space<semaphore_mem>>
    %dma_start3A_494 = tpu.memref_squeeze %dma_start3A_493 : memref<1x!tpu.dma_semaphore, #tpu.memory_space<semaphore_mem>> -> memref<!tpu.dma_semaphore, #tpu.memory_space<semaphore_mem>>
    %dma_start3A_495 = arith.constant 8 : i32
    %dma_start3A_496 = arith.constant 0 : i32
    %dma_start3A_497 = tpu.memref_slice %arg9[%dma_start3A_485, %dma_start3A_495, %dma_start3A_496] : memref<8x32x128xf32, #tpu.memory_space<vmem>> -> memref<1x8x128xf32, #tpu.memory_space<vmem>>
    %dma_start3A_498 = tpu.memref_squeeze %dma_start3A_497 : memref<1x8x128xf32, #tpu.memory_space<vmem>> -> memref<8x128xf32, #tpu.memory_space<vmem>>
    %dma_start3A_499 = arith.constant 8 : i32
    %dma_start3A_500 = tpu.memref_slice %arg4[%dma_start3A_499, %multiple_of3A_443] : memref<32x1000000xf32, #tpu.memory_space<hbm>> -> memref<8x128xf32, #tpu.memory_space<hbm>>
    tpu.enqueue_dma source(%dma_start3A_500 : memref<8x128xf32, #tpu.memory_space<hbm>>) target(%dma_start3A_498 : memref<8x128xf32, #tpu.memory_space<vmem>>) target_semaphore(%dma_start3A_494 : memref<!tpu.dma_semaphore, #tpu.memory_space<semaphore_mem>>)
    %dma_start3A_501 = arith.constant 3 : i32
    %dma_start3A_502 = arith.constant 3 : i32
    %dma_start3A_503 = arith.constant 8 : i32
    %dma_start3A_504 = arith.constant 0 : i32
    %dma_start3A_505 = tpu.memref_slice %arg10[%dma_start3A_501, %dma_start3A_503, %dma_start3A_504] : memref<8x32x128xf32, #tpu.memory_space<vmem>> -> memref<1x8x128xf32, #tpu.memory_space<vmem>>
    %dma_start3A_506 = tpu.memref_squeeze %dma_start3A_505 : memref<1x8x128xf32, #tpu.memory_space<vmem>> -> memref<8x128xf32, #tpu.memory_space<vmem>>
    %dma_start3A_507 = arith.constant 8 : i32
    %dma_start3A_508 = tpu.memref_slice %arg5[%dma_start3A_507, %multiple_of3A_452] : memref<32x1000000xf32, #tpu.memory_space<hbm>> -> memref<8x128xf32, #tpu.memory_space<hbm>>
    %dma_start3A_509 = tpu.memref_slice %arg13[%dma_start3A_502] : memref<8x!tpu.dma_semaphore, #tpu.memory_space<semaphore_mem>> -> memref<1x!tpu.dma_semaphore, #tpu.memory_space<semaphore_mem>>
    %dma_start3A_510 = tpu.memref_squeeze %dma_start3A_509 : memref<1x!tpu.dma_semaphore, #tpu.memory_space<semaphore_mem>> -> memref<!tpu.dma_semaphore, #tpu.memory_space<semaphore_mem>>
    %dma_start3A_511 = arith.constant 8 : i32
    %dma_start3A_512 = arith.constant 0 : i32
    %dma_start3A_513 = tpu.memref_slice %arg10[%dma_start3A_501, %dma_start3A_511, %dma_start3A_512] : memref<8x32x128xf32, #tpu.memory_space<vmem>> -> memref<1x8x128xf32, #tpu.memory_space<vmem>>
    %dma_start3A_514 = tpu.memref_squeeze %dma_start3A_513 : memref<1x8x128xf32, #tpu.memory_space<vmem>> -> memref<8x128xf32, #tpu.memory_space<vmem>>
    %dma_start3A_515 = arith.constant 8 : i32
    %dma_start3A_516 = tpu.memref_slice %arg5[%dma_start3A_515, %multiple_of3A_452] : memref<32x1000000xf32, #tpu.memory_space<hbm>> -> memref<8x128xf32, #tpu.memory_space<hbm>>
    tpu.enqueue_dma source(%dma_start3A_516 : memref<8x128xf32, #tpu.memory_space<hbm>>) target(%dma_start3A_514 : memref<8x128xf32, #tpu.memory_space<vmem>>) target_semaphore(%dma_start3A_510 : memref<!tpu.dma_semaphore, #tpu.memory_space<semaphore_mem>>)
    %dma_start3A_517 = arith.constant 3 : i32
    %dma_start3A_518 = arith.constant 3 : i32
    %dma_start3A_519 = arith.constant 16 : i32
    %dma_start3A_520 = arith.constant 0 : i32
    %dma_start3A_521 = tpu.memref_slice %arg9[%dma_start3A_517, %dma_start3A_519, %dma_start3A_520] : memref<8x32x128xf32, #tpu.memory_space<vmem>> -> memref<1x8x128xf32, #tpu.memory_space<vmem>>
    %dma_start3A_522 = tpu.memref_squeeze %dma_start3A_521 : memref<1x8x128xf32, #tpu.memory_space<vmem>> -> memref<8x128xf32, #tpu.memory_space<vmem>>
    %dma_start3A_523 = arith.constant 16 : i32
    %dma_start3A_524 = tpu.memref_slice %arg4[%dma_start3A_523, %multiple_of3A_443] : memref<32x1000000xf32, #tpu.memory_space<hbm>> -> memref<8x128xf32, #tpu.memory_space<hbm>>
    %dma_start3A_525 = tpu.memref_slice %arg12[%dma_start3A_518] : memref<8x!tpu.dma_semaphore, #tpu.memory_space<semaphore_mem>> -> memref<1x!tpu.dma_semaphore, #tpu.memory_space<semaphore_mem>>
    %dma_start3A_526 = tpu.memref_squeeze %dma_start3A_525 : memref<1x!tpu.dma_semaphore, #tpu.memory_space<semaphore_mem>> -> memref<!tpu.dma_semaphore, #tpu.memory_space<semaphore_mem>>
    %dma_start3A_527 = arith.constant 16 : i32
    %dma_start3A_528 = arith.constant 0 : i32
    %dma_start3A_529 = tpu.memref_slice %arg9[%dma_start3A_517, %dma_start3A_527, %dma_start3A_528] : memref<8x32x128xf32, #tpu.memory_space<vmem>> -> memref<1x8x128xf32, #tpu.memory_space<vmem>>
    %dma_start3A_530 = tpu.memref_squeeze %dma_start3A_529 : memref<1x8x128xf32, #tpu.memory_space<vmem>> -> memref<8x128xf32, #tpu.memory_space<vmem>>
    %dma_start3A_531 = arith.constant 16 : i32
    %dma_start3A_532 = tpu.memref_slice %arg4[%dma_start3A_531, %multiple_of3A_443] : memref<32x1000000xf32, #tpu.memory_space<hbm>> -> memref<8x128xf32, #tpu.memory_space<hbm>>
    tpu.enqueue_dma source(%dma_start3A_532 : memref<8x128xf32, #tpu.memory_space<hbm>>) target(%dma_start3A_530 : memref<8x128xf32, #tpu.memory_space<vmem>>) target_semaphore(%dma_start3A_526 : memref<!tpu.dma_semaphore, #tpu.memory_space<semaphore_mem>>)
    %dma_start3A_533 = arith.constant 3 : i32
    %dma_start3A_534 = arith.constant 3 : i32
    %dma_start3A_535 = arith.constant 16 : i32
    %dma_start3A_536 = arith.constant 0 : i32
    %dma_start3A_537 = tpu.memref_slice %arg10[%dma_start3A_533, %dma_start3A_535, %dma_start3A_536] : memref<8x32x128xf32, #tpu.memory_space<vmem>> -> memref<1x8x128xf32, #tpu.memory_space<vmem>>
    %dma_start3A_538 = tpu.memref_squeeze %dma_start3A_537 : memref<1x8x128xf32, #tpu.memory_space<vmem>> -> memref<8x128xf32, #tpu.memory_space<vmem>>
    %dma_start3A_539 = arith.constant 16 : i32
    %dma_start3A_540 = tpu.memref_slice %arg5[%dma_start3A_539, %multiple_of3A_452] : memref<32x1000000xf32, #tpu.memory_space<hbm>> -> memref<8x128xf32, #tpu.memory_space<hbm>>
    %dma_start3A_541 = tpu.memref_slice %arg13[%dma_start3A_534] : memref<8x!tpu.dma_semaphore, #tpu.memory_space<semaphore_mem>> -> memref<1x!tpu.dma_semaphore, #tpu.memory_space<semaphore_mem>>
    %dma_start3A_542 = tpu.memref_squeeze %dma_start3A_541 : memref<1x!tpu.dma_semaphore, #tpu.memory_space<semaphore_mem>> -> memref<!tpu.dma_semaphore, #tpu.memory_space<semaphore_mem>>
    %dma_start3A_543 = arith.constant 16 : i32
    %dma_start3A_544 = arith.constant 0 : i32
    %dma_start3A_545 = tpu.memref_slice %arg10[%dma_start3A_533, %dma_start3A_543, %dma_start3A_544] : memref<8x32x128xf32, #tpu.memory_space<vmem>> -> memref<1x8x128xf32, #tpu.memory_space<vmem>>
    %dma_start3A_546 = tpu.memref_squeeze %dma_start3A_545 : memref<1x8x128xf32, #tpu.memory_space<vmem>> -> memref<8x128xf32, #tpu.memory_space<vmem>>
    %dma_start3A_547 = arith.constant 16 : i32
    %dma_start3A_548 = tpu.memref_slice %arg5[%dma_start3A_547, %multiple_of3A_452] : memref<32x1000000xf32, #tpu.memory_space<hbm>> -> memref<8x128xf32, #tpu.memory_space<hbm>>
    tpu.enqueue_dma source(%dma_start3A_548 : memref<8x128xf32, #tpu.memory_space<hbm>>) target(%dma_start3A_546 : memref<8x128xf32, #tpu.memory_space<vmem>>) target_semaphore(%dma_start3A_542 : memref<!tpu.dma_semaphore, #tpu.memory_space<semaphore_mem>>)
    %dma_start3A_549 = arith.constant 3 : i32
    %dma_start3A_550 = arith.constant 3 : i32
    %dma_start3A_551 = arith.constant 24 : i32
    %dma_start3A_552 = arith.constant 0 : i32
    %dma_start3A_553 = tpu.memref_slice %arg9[%dma_start3A_549, %dma_start3A_551, %dma_start3A_552] : memref<8x32x128xf32, #tpu.memory_space<vmem>> -> memref<1x8x128xf32, #tpu.memory_space<vmem>>
    %dma_start3A_554 = tpu.memref_squeeze %dma_start3A_553 : memref<1x8x128xf32, #tpu.memory_space<vmem>> -> memref<8x128xf32, #tpu.memory_space<vmem>>
    %dma_start3A_555 = arith.constant 24 : i32
    %dma_start3A_556 = tpu.memref_slice %arg4[%dma_start3A_555, %multiple_of3A_443] : memref<32x1000000xf32, #tpu.memory_space<hbm>> -> memref<8x128xf32, #tpu.memory_space<hbm>>
    %dma_start3A_557 = tpu.memref_slice %arg12[%dma_start3A_550] : memref<8x!tpu.dma_semaphore, #tpu.memory_space<semaphore_mem>> -> memref<1x!tpu.dma_semaphore, #tpu.memory_space<semaphore_mem>>
    %dma_start3A_558 = tpu.memref_squeeze %dma_start3A_557 : memref<1x!tpu.dma_semaphore, #tpu.memory_space<semaphore_mem>> -> memref<!tpu.dma_semaphore, #tpu.memory_space<semaphore_mem>>
    %dma_start3A_559 = arith.constant 24 : i32
    %dma_start3A_560 = arith.constant 0 : i32
    %dma_start3A_561 = tpu.memref_slice %arg9[%dma_start3A_549, %dma_start3A_559, %dma_start3A_560] : memref<8x32x128xf32, #tpu.memory_space<vmem>> -> memref<1x8x128xf32, #tpu.memory_space<vmem>>
    %dma_start3A_562 = tpu.memref_squeeze %dma_start3A_561 : memref<1x8x128xf32, #tpu.memory_space<vmem>> -> memref<8x128xf32, #tpu.memory_space<vmem>>
    %dma_start3A_563 = arith.constant 24 : i32
    %dma_start3A_564 = tpu.memref_slice %arg4[%dma_start3A_563, %multiple_of3A_443] : memref<32x1000000xf32, #tpu.memory_space<hbm>> -> memref<8x128xf32, #tpu.memory_space<hbm>>
    tpu.enqueue_dma source(%dma_start3A_564 : memref<8x128xf32, #tpu.memory_space<hbm>>) target(%dma_start3A_562 : memref<8x128xf32, #tpu.memory_space<vmem>>) target_semaphore(%dma_start3A_558 : memref<!tpu.dma_semaphore, #tpu.memory_space<semaphore_mem>>)
    %dma_start3A_565 = arith.constant 3 : i32
    %dma_start3A_566 = arith.constant 3 : i32
    %dma_start3A_567 = arith.constant 24 : i32
    %dma_start3A_568 = arith.constant 0 : i32
    %dma_start3A_569 = tpu.memref_slice %arg10[%dma_start3A_565, %dma_start3A_567, %dma_start3A_568] : memref<8x32x128xf32, #tpu.memory_space<vmem>> -> memref<1x8x128xf32, #tpu.memory_space<vmem>>
    %dma_start3A_570 = tpu.memref_squeeze %dma_start3A_569 : memref<1x8x128xf32, #tpu.memory_space<vmem>> -> memref<8x128xf32, #tpu.memory_space<vmem>>
    %dma_start3A_571 = arith.constant 24 : i32
    %dma_start3A_572 = tpu.memref_slice %arg5[%dma_start3A_571, %multiple_of3A_452] : memref<32x1000000xf32, #tpu.memory_space<hbm>> -> memref<8x128xf32, #tpu.memory_space<hbm>>
    %dma_start3A_573 = tpu.memref_slice %arg13[%dma_start3A_566] : memref<8x!tpu.dma_semaphore, #tpu.memory_space<semaphore_mem>> -> memref<1x!tpu.dma_semaphore, #tpu.memory_space<semaphore_mem>>
    %dma_start3A_574 = tpu.memref_squeeze %dma_start3A_573 : memref<1x!tpu.dma_semaphore, #tpu.memory_space<semaphore_mem>> -> memref<!tpu.dma_semaphore, #tpu.memory_space<semaphore_mem>>
    %dma_start3A_575 = arith.constant 24 : i32
    %dma_start3A_576 = arith.constant 0 : i32
    %dma_start3A_577 = tpu.memref_slice %arg10[%dma_start3A_565, %dma_start3A_575, %dma_start3A_576] : memref<8x32x128xf32, #tpu.memory_space<vmem>> -> memref<1x8x128xf32, #tpu.memory_space<vmem>>
    %dma_start3A_578 = tpu.memref_squeeze %dma_start3A_577 : memref<1x8x128xf32, #tpu.memory_space<vmem>> -> memref<8x128xf32, #tpu.memory_space<vmem>>
    %dma_start3A_579 = arith.constant 24 : i32
    %dma_start3A_580 = tpu.memref_slice %arg5[%dma_start3A_579, %multiple_of3A_452] : memref<32x1000000xf32, #tpu.memory_space<hbm>> -> memref<8x128xf32, #tpu.memory_space<hbm>>
    tpu.enqueue_dma source(%dma_start3A_580 : memref<8x128xf32, #tpu.memory_space<hbm>>) target(%dma_start3A_578 : memref<8x128xf32, #tpu.memory_space<vmem>>) target_semaphore(%dma_start3A_574 : memref<!tpu.dma_semaphore, #tpu.memory_space<semaphore_mem>>)
    %get3A_581 = arith.constant 4 : index
    %get3A_582 = tpu.vector_load %arg7[%get3A_581] {strides = array<i32>} : memref<528xi32, #tpu.memory_space<vmem>>, vector<16xi32>,
    %slice3A_583 = vector.extract_strided_slice %get3A_582 {offsets = [0], sizes = [1], strides = [1]} : vector<16xi32> to vector<1xi32>
    %squeeze3A_584 = vector.extract %slice3A_583[0] : i32 from vector<1xi32>
    %shift_right_arithmetic3A_585 = arith.constant 7 : i32
    %shift_right_arithmetic3A_586 = arith.shrsi %squeeze3A_584, %shift_right_arithmetic3A_585 : i32
    %mul3A_587 = arith.constant 128 : i32
    %mul3A_588 = arith.muli %shift_right_arithmetic3A_586, %mul3A_587 : i32
    %multiple_of3A_589 = tpu.assume_multiple %mul3A_588, 128 : i32
    %get3A_590 = arith.constant 4 : index
    %get3A_591 = tpu.vector_load %arg8[%get3A_590] {strides = array<i32>} : memref<528xi32, #tpu.memory_space<vmem>>, vector<16xi32>,
    %slice3A_592 = vector.extract_strided_slice %get3A_591 {offsets = [0], sizes = [1], strides = [1]} : vector<16xi32> to vector<1xi32>
    %squeeze3A_593 = vector.extract %slice3A_592[0] : i32 from vector<1xi32>
    %shift_right_arithmetic3A_594 = arith.constant 7 : i32
    %shift_right_arithmetic3A_595 = arith.shrsi %squeeze3A_593, %shift_right_arithmetic3A_594 : i32
    %mul3A_596 = arith.constant 128 : i32
    %mul3A_597 = arith.muli %shift_right_arithmetic3A_595, %mul3A_596 : i32
    %multiple_of3A_598 = tpu.assume_multiple %mul3A_597, 128 : i32
    %dma_start3A_599 = arith.constant 4 : i32
    %dma_start3A_600 = arith.constant 4 : i32
    %dma_start3A_601 = arith.constant 0 : i32
    %dma_start3A_602 = arith.constant 0 : i32
    %dma_start3A_603 = tpu.memref_slice %arg9[%dma_start3A_599, %dma_start3A_601, %dma_start3A_602] : memref<8x32x128xf32, #tpu.memory_space<vmem>> -> memref<1x8x128xf32, #tpu.memory_space<vmem>>
    %dma_start3A_604 = tpu.memref_squeeze %dma_start3A_603 : memref<1x8x128xf32, #tpu.memory_space<vmem>> -> memref<8x128xf32, #tpu.memory_space<vmem>>
    %dma_start3A_605 = arith.constant 0 : i32
    %dma_start3A_606 = tpu.memref_slice %arg4[%dma_start3A_605, %multiple_of3A_589] : memref<32x1000000xf32, #tpu.memory_space<hbm>> -> memref<8x128xf32, #tpu.memory_space<hbm>>
    %dma_start3A_607 = tpu.memref_slice %arg12[%dma_start3A_600] : memref<8x!tpu.dma_semaphore, #tpu.memory_space<semaphore_mem>> -> memref<1x!tpu.dma_semaphore, #tpu.memory_space<semaphore_mem>>
    %dma_start3A_608 = tpu.memref_squeeze %dma_start3A_607 : memref<1x!tpu.dma_semaphore, #tpu.memory_space<semaphore_mem>> -> memref<!tpu.dma_semaphore, #tpu.memory_space<semaphore_mem>>
    %dma_start3A_609 = arith.constant 0 : i32
    %dma_start3A_610 = arith.constant 0 : i32
    %dma_start3A_611 = tpu.memref_slice %arg9[%dma_start3A_599, %dma_start3A_609, %dma_start3A_610] : memref<8x32x128xf32, #tpu.memory_space<vmem>> -> memref<1x8x128xf32, #tpu.memory_space<vmem>>
    %dma_start3A_612 = tpu.memref_squeeze %dma_start3A_611 : memref<1x8x128xf32, #tpu.memory_space<vmem>> -> memref<8x128xf32, #tpu.memory_space<vmem>>
    %dma_start3A_613 = arith.constant 0 : i32
    %dma_start3A_614 = tpu.memref_slice %arg4[%dma_start3A_613, %multiple_of3A_589] : memref<32x1000000xf32, #tpu.memory_space<hbm>> -> memref<8x128xf32, #tpu.memory_space<hbm>>
    tpu.enqueue_dma source(%dma_start3A_614 : memref<8x128xf32, #tpu.memory_space<hbm>>) target(%dma_start3A_612 : memref<8x128xf32, #tpu.memory_space<vmem>>) target_semaphore(%dma_start3A_608 : memref<!tpu.dma_semaphore, #tpu.memory_space<semaphore_mem>>)
    %dma_start3A_615 = arith.constant 4 : i32
    %dma_start3A_616 = arith.constant 4 : i32
    %dma_start3A_617 = arith.constant 0 : i32
    %dma_start3A_618 = arith.constant 0 : i32
    %dma_start3A_619 = tpu.memref_slice %arg10[%dma_start3A_615, %dma_start3A_617, %dma_start3A_618] : memref<8x32x128xf32, #tpu.memory_space<vmem>> -> memref<1x8x128xf32, #tpu.memory_space<vmem>>
    %dma_start3A_620 = tpu.memref_squeeze %dma_start3A_619 : memref<1x8x128xf32, #tpu.memory_space<vmem>> -> memref<8x128xf32, #tpu.memory_space<vmem>>
    %dma_start3A_621 = arith.constant 0 : i32
    %dma_start3A_622 = tpu.memref_slice %arg5[%dma_start3A_621, %multiple_of3A_598] : memref<32x1000000xf32, #tpu.memory_space<hbm>> -> memref<8x128xf32, #tpu.memory_space<hbm>>
    %dma_start3A_623 = tpu.memref_slice %arg13[%dma_start3A_616] : memref<8x!tpu.dma_semaphore, #tpu.memory_space<semaphore_mem>> -> memref<1x!tpu.dma_semaphore, #tpu.memory_space<semaphore_mem>>
    %dma_start3A_624 = tpu.memref_squeeze %dma_start3A_623 : memref<1x!tpu.dma_semaphore, #tpu.memory_space<semaphore_mem>> -> memref<!tpu.dma_semaphore, #tpu.memory_space<semaphore_mem>>
    %dma_start3A_625 = arith.constant 0 : i32
    %dma_start3A_626 = arith.constant 0 : i32
    %dma_start3A_627 = tpu.memref_slice %arg10[%dma_start3A_615, %dma_start3A_625, %dma_start3A_626] : memref<8x32x128xf32, #tpu.memory_space<vmem>> -> memref<1x8x128xf32, #tpu.memory_space<vmem>>
    %dma_start3A_628 = tpu.memref_squeeze %dma_start3A_627 : memref<1x8x128xf32, #tpu.memory_space<vmem>> -> memref<8x128xf32, #tpu.memory_space<vmem>>
    %dma_start3A_629 = arith.constant 0 : i32
    %dma_start3A_630 = tpu.memref_slice %arg5[%dma_start3A_629, %multiple_of3A_598] : memref<32x1000000xf32, #tpu.memory_space<hbm>> -> memref<8x128xf32, #tpu.memory_space<hbm>>
    tpu.enqueue_dma source(%dma_start3A_630 : memref<8x128xf32, #tpu.memory_space<hbm>>) target(%dma_start3A_628 : memref<8x128xf32, #tpu.memory_space<vmem>>) target_semaphore(%dma_start3A_624 : memref<!tpu.dma_semaphore, #tpu.memory_space<semaphore_mem>>)
    %dma_start3A_631 = arith.constant 4 : i32
    %dma_start3A_632 = arith.constant 4 : i32
    %dma_start3A_633 = arith.constant 8 : i32
    %dma_start3A_634 = arith.constant 0 : i32
    %dma_start3A_635 = tpu.memref_slice %arg9[%dma_start3A_631, %dma_start3A_633, %dma_start3A_634] : memref<8x32x128xf32, #tpu.memory_space<vmem>> -> memref<1x8x128xf32, #tpu.memory_space<vmem>>
    %dma_start3A_636 = tpu.memref_squeeze %dma_start3A_635 : memref<1x8x128xf32, #tpu.memory_space<vmem>> -> memref<8x128xf32, #tpu.memory_space<vmem>>
    %dma_start3A_637 = arith.constant 8 : i32
    %dma_start3A_638 = tpu.memref_slice %arg4[%dma_start3A_637, %multiple_of3A_589] : memref<32x1000000xf32, #tpu.memory_space<hbm>> -> memref<8x128xf32, #tpu.memory_space<hbm>>
    %dma_start3A_639 = tpu.memref_slice %arg12[%dma_start3A_632] : memref<8x!tpu.dma_semaphore, #tpu.memory_space<semaphore_mem>> -> memref<1x!tpu.dma_semaphore, #tpu.memory_space<semaphore_mem>>
    %dma_start3A_640 = tpu.memref_squeeze %dma_start3A_639 : memref<1x!tpu.dma_semaphore, #tpu.memory_space<semaphore_mem>> -> memref<!tpu.dma_semaphore, #tpu.memory_space<semaphore_mem>>
    %dma_start3A_641 = arith.constant 8 : i32
    %dma_start3A_642 = arith.constant 0 : i32
    %dma_start3A_643 = tpu.memref_slice %arg9[%dma_start3A_631, %dma_start3A_641, %dma_start3A_642] : memref<8x32x128xf32, #tpu.memory_space<vmem>> -> memref<1x8x128xf32, #tpu.memory_space<vmem>>
    %dma_start3A_644 = tpu.memref_squeeze %dma_start3A_643 : memref<1x8x128xf32, #tpu.memory_space<vmem>> -> memref<8x128xf32, #tpu.memory_space<vmem>>
    %dma_start3A_645 = arith.constant 8 : i32
    %dma_start3A_646 = tpu.memref_slice %arg4[%dma_start3A_645, %multiple_of3A_589] : memref<32x1000000xf32, #tpu.memory_space<hbm>> -> memref<8x128xf32, #tpu.memory_space<hbm>>
    tpu.enqueue_dma source(%dma_start3A_646 : memref<8x128xf32, #tpu.memory_space<hbm>>) target(%dma_start3A_644 : memref<8x128xf32, #tpu.memory_space<vmem>>) target_semaphore(%dma_start3A_640 : memref<!tpu.dma_semaphore, #tpu.memory_space<semaphore_mem>>)
    %dma_start3A_647 = arith.constant 4 : i32
    %dma_start3A_648 = arith.constant 4 : i32
    %dma_start3A_649 = arith.constant 8 : i32
    %dma_start3A_650 = arith.constant 0 : i32
    %dma_start3A_651 = tpu.memref_slice %arg10[%dma_start3A_647, %dma_start3A_649, %dma_start3A_650] : memref<8x32x128xf32, #tpu.memory_space<vmem>> -> memref<1x8x128xf32, #tpu.memory_space<vmem>>
    %dma_start3A_652 = tpu.memref_squeeze %dma_start3A_651 : memref<1x8x128xf32, #tpu.memory_space<vmem>> -> memref<8x128xf32, #tpu.memory_space<vmem>>
    %dma_start3A_653 = arith.constant 8 : i32
    %dma_start3A_654 = tpu.memref_slice %arg5[%dma_start3A_653, %multiple_of3A_598] : memref<32x1000000xf32, #tpu.memory_space<hbm>> -> memref<8x128xf32, #tpu.memory_space<hbm>>
    %dma_start3A_655 = tpu.memref_slice %arg13[%dma_start3A_648] : memref<8x!tpu.dma_semaphore, #tpu.memory_space<semaphore_mem>> -> memref<1x!tpu.dma_semaphore, #tpu.memory_space<semaphore_mem>>
    %dma_start3A_656 = tpu.memref_squeeze %dma_start3A_655 : memref<1x!tpu.dma_semaphore, #tpu.memory_space<semaphore_mem>> -> memref<!tpu.dma_semaphore, #tpu.memory_space<semaphore_mem>>
    %dma_start3A_657 = arith.constant 8 : i32
    %dma_start3A_658 = arith.constant 0 : i32
    %dma_start3A_659 = tpu.memref_slice %arg10[%dma_start3A_647, %dma_start3A_657, %dma_start3A_658] : memref<8x32x128xf32, #tpu.memory_space<vmem>> -> memref<1x8x128xf32, #tpu.memory_space<vmem>>
    %dma_start3A_660 = tpu.memref_squeeze %dma_start3A_659 : memref<1x8x128xf32, #tpu.memory_space<vmem>> -> memref<8x128xf32, #tpu.memory_space<vmem>>
    %dma_start3A_661 = arith.constant 8 : i32
    %dma_start3A_662 = tpu.memref_slice %arg5[%dma_start3A_661, %multiple_of3A_598] : memref<32x1000000xf32, #tpu.memory_space<hbm>> -> memref<8x128xf32, #tpu.memory_space<hbm>>
    tpu.enqueue_dma source(%dma_start3A_662 : memref<8x128xf32, #tpu.memory_space<hbm>>) target(%dma_start3A_660 : memref<8x128xf32, #tpu.memory_space<vmem>>) target_semaphore(%dma_start3A_656 : memref<!tpu.dma_semaphore, #tpu.memory_space<semaphore_mem>>)
    %dma_start3A_663 = arith.constant 4 : i32
    %dma_start3A_664 = arith.constant 4 : i32
    %dma_start3A_665 = arith.constant 16 : i32
    %dma_start3A_666 = arith.constant 0 : i32
    %dma_start3A_667 = tpu.memref_slice %arg9[%dma_start3A_663, %dma_start3A_665, %dma_start3A_666] : memref<8x32x128xf32, #tpu.memory_space<vmem>> -> memref<1x8x128xf32, #tpu.memory_space<vmem>>
    %dma_start3A_668 = tpu.memref_squeeze %dma_start3A_667 : memref<1x8x128xf32, #tpu.memory_space<vmem>> -> memref<8x128xf32, #tpu.memory_space<vmem>>
    %dma_start3A_669 = arith.constant 16 : i32
    %dma_start3A_670 = tpu.memref_slice %arg4[%dma_start3A_669, %multiple_of3A_589] : memref<32x1000000xf32, #tpu.memory_space<hbm>> -> memref<8x128xf32, #tpu.memory_space<hbm>>
    %dma_start3A_671 = tpu.memref_slice %arg12[%dma_start3A_664] : memref<8x!tpu.dma_semaphore, #tpu.memory_space<semaphore_mem>> -> memref<1x!tpu.dma_semaphore, #tpu.memory_space<semaphore_mem>>
    %dma_start3A_672 = tpu.memref_squeeze %dma_start3A_671 : memref<1x!tpu.dma_semaphore, #tpu.memory_space<semaphore_mem>> -> memref<!tpu.dma_semaphore, #tpu.memory_space<semaphore_mem>>
    %dma_start3A_673 = arith.constant 16 : i32
    %dma_start3A_674 = arith.constant 0 : i32
    %dma_start3A_675 = tpu.memref_slice %arg9[%dma_start3A_663, %dma_start3A_673, %dma_start3A_674] : memref<8x32x128xf32, #tpu.memory_space<vmem>> -> memref<1x8x128xf32, #tpu.memory_space<vmem>>
    %dma_start3A_676 = tpu.memref_squeeze %dma_start3A_675 : memref<1x8x128xf32, #tpu.memory_space<vmem>> -> memref<8x128xf32, #tpu.memory_space<vmem>>
    %dma_start3A_677 = arith.constant 16 : i32
    %dma_start3A_678 = tpu.memref_slice %arg4[%dma_start3A_677, %multiple_of3A_589] : memref<32x1000000xf32, #tpu.memory_space<hbm>> -> memref<8x128xf32, #tpu.memory_space<hbm>>
    tpu.enqueue_dma source(%dma_start3A_678 : memref<8x128xf32, #tpu.memory_space<hbm>>) target(%dma_start3A_676 : memref<8x128xf32, #tpu.memory_space<vmem>>) target_semaphore(%dma_start3A_672 : memref<!tpu.dma_semaphore, #tpu.memory_space<semaphore_mem>>)
    %dma_start3A_679 = arith.constant 4 : i32
    %dma_start3A_680 = arith.constant 4 : i32
    %dma_start3A_681 = arith.constant 16 : i32
    %dma_start3A_682 = arith.constant 0 : i32
    %dma_start3A_683 = tpu.memref_slice %arg10[%dma_start3A_679, %dma_start3A_681, %dma_start3A_682] : memref<8x32x128xf32, #tpu.memory_space<vmem>> -> memref<1x8x128xf32, #tpu.memory_space<vmem>>
    %dma_start3A_684 = tpu.memref_squeeze %dma_start3A_683 : memref<1x8x128xf32, #tpu.memory_space<vmem>> -> memref<8x128xf32, #tpu.memory_space<vmem>>
    %dma_start3A_685 = arith.constant 16 : i32
    %dma_start3A_686 = tpu.memref_slice %arg5[%dma_start3A_685, %multiple_of3A_598] : memref<32x1000000xf32, #tpu.memory_space<hbm>> -> memref<8x128xf32, #tpu.memory_space<hbm>>
    %dma_start3A_687 = tpu.memref_slice %arg13[%dma_start3A_680] : memref<8x!tpu.dma_semaphore, #tpu.memory_space<semaphore_mem>> -> memref<1x!tpu.dma_semaphore, #tpu.memory_space<semaphore_mem>>
    %dma_start3A_688 = tpu.memref_squeeze %dma_start3A_687 : memref<1x!tpu.dma_semaphore, #tpu.memory_space<semaphore_mem>> -> memref<!tpu.dma_semaphore, #tpu.memory_space<semaphore_mem>>
    %dma_start3A_689 = arith.constant 16 : i32
    %dma_start3A_690 = arith.constant 0 : i32
    %dma_start3A_691 = tpu.memref_slice %arg10[%dma_start3A_679, %dma_start3A_689, %dma_start3A_690] : memref<8x32x128xf32, #tpu.memory_space<vmem>> -> memref<1x8x128xf32, #tpu.memory_space<vmem>>
    %dma_start3A_692 = tpu.memref_squeeze %dma_start3A_691 : memref<1x8x128xf32, #tpu.memory_space<vmem>> -> memref<8x128xf32, #tpu.memory_space<vmem>>
    %dma_start3A_693 = arith.constant 16 : i32
    %dma_start3A_694 = tpu.memref_slice %arg5[%dma_start3A_693, %multiple_of3A_598] : memref<32x1000000xf32, #tpu.memory_space<hbm>> -> memref<8x128xf32, #tpu.memory_space<hbm>>
    tpu.enqueue_dma source(%dma_start3A_694 : memref<8x128xf32, #tpu.memory_space<hbm>>) target(%dma_start3A_692 : memref<8x128xf32, #tpu.memory_space<vmem>>) target_semaphore(%dma_start3A_688 : memref<!tpu.dma_semaphore, #tpu.memory_space<semaphore_mem>>)
    %dma_start3A_695 = arith.constant 4 : i32
    %dma_start3A_696 = arith.constant 4 : i32
    %dma_start3A_697 = arith.constant 24 : i32
    %dma_start3A_698 = arith.constant 0 : i32
    %dma_start3A_699 = tpu.memref_slice %arg9[%dma_start3A_695, %dma_start3A_697, %dma_start3A_698] : memref<8x32x128xf32, #tpu.memory_space<vmem>> -> memref<1x8x128xf32, #tpu.memory_space<vmem>>
    %dma_start3A_700 = tpu.memref_squeeze %dma_start3A_699 : memref<1x8x128xf32, #tpu.memory_space<vmem>> -> memref<8x128xf32, #tpu.memory_space<vmem>>
    %dma_start3A_701 = arith.constant 24 : i32
    %dma_start3A_702 = tpu.memref_slice %arg4[%dma_start3A_701, %multiple_of3A_589] : memref<32x1000000xf32, #tpu.memory_space<hbm>> -> memref<8x128xf32, #tpu.memory_space<hbm>>
    %dma_start3A_703 = tpu.memref_slice %arg12[%dma_start3A_696] : memref<8x!tpu.dma_semaphore, #tpu.memory_space<semaphore_mem>> -> memref<1x!tpu.dma_semaphore, #tpu.memory_space<semaphore_mem>>
    %dma_start3A_704 = tpu.memref_squeeze %dma_start3A_703 : memref<1x!tpu.dma_semaphore, #tpu.memory_space<semaphore_mem>> -> memref<!tpu.dma_semaphore, #tpu.memory_space<semaphore_mem>>
    %dma_start3A_705 = arith.constant 24 : i32
    %dma_start3A_706 = arith.constant 0 : i32
    %dma_start3A_707 = tpu.memref_slice %arg9[%dma_start3A_695, %dma_start3A_705, %dma_start3A_706] : memref<8x32x128xf32, #tpu.memory_space<vmem>> -> memref<1x8x128xf32, #tpu.memory_space<vmem>>
    %dma_start3A_708 = tpu.memref_squeeze %dma_start3A_707 : memref<1x8x128xf32, #tpu.memory_space<vmem>> -> memref<8x128xf32, #tpu.memory_space<vmem>>
    %dma_start3A_709 = arith.constant 24 : i32
    %dma_start3A_710 = tpu.memref_slice %arg4[%dma_start3A_709, %multiple_of3A_589] : memref<32x1000000xf32, #tpu.memory_space<hbm>> -> memref<8x128xf32, #tpu.memory_space<hbm>>
    tpu.enqueue_dma source(%dma_start3A_710 : memref<8x128xf32, #tpu.memory_space<hbm>>) target(%dma_start3A_708 : memref<8x128xf32, #tpu.memory_space<vmem>>) target_semaphore(%dma_start3A_704 : memref<!tpu.dma_semaphore, #tpu.memory_space<semaphore_mem>>)
    %dma_start3A_711 = arith.constant 4 : i32
    %dma_start3A_712 = arith.constant 4 : i32
    %dma_start3A_713 = arith.constant 24 : i32
    %dma_start3A_714 = arith.constant 0 : i32
    %dma_start3A_715 = tpu.memref_slice %arg10[%dma_start3A_711, %dma_start3A_713, %dma_start3A_714] : memref<8x32x128xf32, #tpu.memory_space<vmem>> -> memref<1x8x128xf32, #tpu.memory_space<vmem>>
    %dma_start3A_716 = tpu.memref_squeeze %dma_start3A_715 : memref<1x8x128xf32, #tpu.memory_space<vmem>> -> memref<8x128xf32, #tpu.memory_space<vmem>>
    %dma_start3A_717 = arith.constant 24 : i32
    %dma_start3A_718 = tpu.memref_slice %arg5[%dma_start3A_717, %multiple_of3A_598] : memref<32x1000000xf32, #tpu.memory_space<hbm>> -> memref<8x128xf32, #tpu.memory_space<hbm>>
    %dma_start3A_719 = tpu.memref_slice %arg13[%dma_start3A_712] : memref<8x!tpu.dma_semaphore, #tpu.memory_space<semaphore_mem>> -> memref<1x!tpu.dma_semaphore, #tpu.memory_space<semaphore_mem>>
    %dma_start3A_720 = tpu.memref_squeeze %dma_start3A_719 : memref<1x!tpu.dma_semaphore, #tpu.memory_space<semaphore_mem>> -> memref<!tpu.dma_semaphore, #tpu.memory_space<semaphore_mem>>
    %dma_start3A_721 = arith.constant 24 : i32
    %dma_start3A_722 = arith.constant 0 : i32
    %dma_start3A_723 = tpu.memref_slice %arg10[%dma_start3A_711, %dma_start3A_721, %dma_start3A_722] : memref<8x32x128xf32, #tpu.memory_space<vmem>> -> memref<1x8x128xf32, #tpu.memory_space<vmem>>
    %dma_start3A_724 = tpu.memref_squeeze %dma_start3A_723 : memref<1x8x128xf32, #tpu.memory_space<vmem>> -> memref<8x128xf32, #tpu.memory_space<vmem>>
    %dma_start3A_725 = arith.constant 24 : i32
    %dma_start3A_726 = tpu.memref_slice %arg5[%dma_start3A_725, %multiple_of3A_598] : memref<32x1000000xf32, #tpu.memory_space<hbm>> -> memref<8x128xf32, #tpu.memory_space<hbm>>
    tpu.enqueue_dma source(%dma_start3A_726 : memref<8x128xf32, #tpu.memory_space<hbm>>) target(%dma_start3A_724 : memref<8x128xf32, #tpu.memory_space<vmem>>) target_semaphore(%dma_start3A_720 : memref<!tpu.dma_semaphore, #tpu.memory_space<semaphore_mem>>)
    %get3A_727 = arith.constant 5 : index
    %get3A_728 = tpu.vector_load %arg7[%get3A_727] {strides = array<i32>} : memref<528xi32, #tpu.memory_space<vmem>>, vector<16xi32>,
    %slice3A_729 = vector.extract_strided_slice %get3A_728 {offsets = [0], sizes = [1], strides = [1]} : vector<16xi32> to vector<1xi32>
    %squeeze3A_730 = vector.extract %slice3A_729[0] : i32 from vector<1xi32>
    %shift_right_arithmetic3A_731 = arith.constant 7 : i32
    %shift_right_arithmetic3A_732 = arith.shrsi %squeeze3A_730, %shift_right_arithmetic3A_731 : i32
    %mul3A_733 = arith.constant 128 : i32
    %mul3A_734 = arith.muli %shift_right_arithmetic3A_732, %mul3A_733 : i32
    %multiple_of3A_735 = tpu.assume_multiple %mul3A_734, 128 : i32
    %get3A_736 = arith.constant 5 : index
    %get3A_737 = tpu.vector_load %arg8[%get3A_736] {strides = array<i32>} : memref<528xi32, #tpu.memory_space<vmem>>, vector<16xi32>,
    %slice3A_738 = vector.extract_strided_slice %get3A_737 {offsets = [0], sizes = [1], strides = [1]} : vector<16xi32> to vector<1xi32>
    %squeeze3A_739 = vector.extract %slice3A_738[0] : i32 from vector<1xi32>
    %shift_right_arithmetic3A_740 = arith.constant 7 : i32
    %shift_right_arithmetic3A_741 = arith.shrsi %squeeze3A_739, %shift_right_arithmetic3A_740 : i32
    %mul3A_742 = arith.constant 128 : i32
    %mul3A_743 = arith.muli %shift_right_arithmetic3A_741, %mul3A_742 : i32
    %multiple_of3A_744 = tpu.assume_multiple %mul3A_743, 128 : i32
    %dma_start3A_745 = arith.constant 5 : i32
    %dma_start3A_746 = arith.constant 5 : i32
    %dma_start3A_747 = arith.constant 0 : i32
    %dma_start3A_748 = arith.constant 0 : i32
    %dma_start3A_749 = tpu.memref_slice %arg9[%dma_start3A_745, %dma_start3A_747, %dma_start3A_748] : memref<8x32x128xf32, #tpu.memory_space<vmem>> -> memref<1x8x128xf32, #tpu.memory_space<vmem>>
    %dma_start3A_750 = tpu.memref_squeeze %dma_start3A_749 : memref<1x8x128xf32, #tpu.memory_space<vmem>> -> memref<8x128xf32, #tpu.memory_space<vmem>>
    %dma_start3A_751 = arith.constant 0 : i32
    %dma_start3A_752 = tpu.memref_slice %arg4[%dma_start3A_751, %multiple_of3A_735] : memref<32x1000000xf32, #tpu.memory_space<hbm>> -> memref<8x128xf32, #tpu.memory_space<hbm>>
    %dma_start3A_753 = tpu.memref_slice %arg12[%dma_start3A_746] : memref<8x!tpu.dma_semaphore, #tpu.memory_space<semaphore_mem>> -> memref<1x!tpu.dma_semaphore, #tpu.memory_space<semaphore_mem>>
    %dma_start3A_754 = tpu.memref_squeeze %dma_start3A_753 : memref<1x!tpu.dma_semaphore, #tpu.memory_space<semaphore_mem>> -> memref<!tpu.dma_semaphore, #tpu.memory_space<semaphore_mem>>
    %dma_start3A_755 = arith.constant 0 : i32
    %dma_start3A_756 = arith.constant 0 : i32
    %dma_start3A_757 = tpu.memref_slice %arg9[%dma_start3A_745, %dma_start3A_755, %dma_start3A_756] : memref<8x32x128xf32, #tpu.memory_space<vmem>> -> memref<1x8x128xf32, #tpu.memory_space<vmem>>
    %dma_start3A_758 = tpu.memref_squeeze %dma_start3A_757 : memref<1x8x128xf32, #tpu.memory_space<vmem>> -> memref<8x128xf32, #tpu.memory_space<vmem>>
    %dma_start3A_759 = arith.constant 0 : i32
    %dma_start3A_760 = tpu.memref_slice %arg4[%dma_start3A_759, %multiple_of3A_735] : memref<32x1000000xf32, #tpu.memory_space<hbm>> -> memref<8x128xf32, #tpu.memory_space<hbm>>
    tpu.enqueue_dma source(%dma_start3A_760 : memref<8x128xf32, #tpu.memory_space<hbm>>) target(%dma_start3A_758 : memref<8x128xf32, #tpu.memory_space<vmem>>) target_semaphore(%dma_start3A_754 : memref<!tpu.dma_semaphore, #tpu.memory_space<semaphore_mem>>)
    %dma_start3A_761 = arith.constant 5 : i32
    %dma_start3A_762 = arith.constant 5 : i32
    %dma_start3A_763 = arith.constant 0 : i32
    %dma_start3A_764 = arith.constant 0 : i32
    %dma_start3A_765 = tpu.memref_slice %arg10[%dma_start3A_761, %dma_start3A_763, %dma_start3A_764] : memref<8x32x128xf32, #tpu.memory_space<vmem>> -> memref<1x8x128xf32, #tpu.memory_space<vmem>>
    %dma_start3A_766 = tpu.memref_squeeze %dma_start3A_765 : memref<1x8x128xf32, #tpu.memory_space<vmem>> -> memref<8x128xf32, #tpu.memory_space<vmem>>
    %dma_start3A_767 = arith.constant 0 : i32
    %dma_start3A_768 = tpu.memref_slice %arg5[%dma_start3A_767, %multiple_of3A_744] : memref<32x1000000xf32, #tpu.memory_space<hbm>> -> memref<8x128xf32, #tpu.memory_space<hbm>>
    %dma_start3A_769 = tpu.memref_slice %arg13[%dma_start3A_762] : memref<8x!tpu.dma_semaphore, #tpu.memory_space<semaphore_mem>> -> memref<1x!tpu.dma_semaphore, #tpu.memory_space<semaphore_mem>>
    %dma_start3A_770 = tpu.memref_squeeze %dma_start3A_769 : memref<1x!tpu.dma_semaphore, #tpu.memory_space<semaphore_mem>> -> memref<!tpu.dma_semaphore, #tpu.memory_space<semaphore_mem>>
    %dma_start3A_771 = arith.constant 0 : i32
    %dma_start3A_772 = arith.constant 0 : i32
    %dma_start3A_773 = tpu.memref_slice %arg10[%dma_start3A_761, %dma_start3A_771, %dma_start3A_772] : memref<8x32x128xf32, #tpu.memory_space<vmem>> -> memref<1x8x128xf32, #tpu.memory_space<vmem>>
    %dma_start3A_774 = tpu.memref_squeeze %dma_start3A_773 : memref<1x8x128xf32, #tpu.memory_space<vmem>> -> memref<8x128xf32, #tpu.memory_space<vmem>>
    %dma_start3A_775 = arith.constant 0 : i32
    %dma_start3A_776 = tpu.memref_slice %arg5[%dma_start3A_775, %multiple_of3A_744] : memref<32x1000000xf32, #tpu.memory_space<hbm>> -> memref<8x128xf32, #tpu.memory_space<hbm>>
    tpu.enqueue_dma source(%dma_start3A_776 : memref<8x128xf32, #tpu.memory_space<hbm>>) target(%dma_start3A_774 : memref<8x128xf32, #tpu.memory_space<vmem>>) target_semaphore(%dma_start3A_770 : memref<!tpu.dma_semaphore, #tpu.memory_space<semaphore_mem>>)
    %dma_start3A_777 = arith.constant 5 : i32
    %dma_start3A_778 = arith.constant 5 : i32
    %dma_start3A_779 = arith.constant 8 : i32
    %dma_start3A_780 = arith.constant 0 : i32
    %dma_start3A_781 = tpu.memref_slice %arg9[%dma_start3A_777, %dma_start3A_779, %dma_start3A_780] : memref<8x32x128xf32, #tpu.memory_space<vmem>> -> memref<1x8x128xf32, #tpu.memory_space<vmem>>
    %dma_start3A_782 = tpu.memref_squeeze %dma_start3A_781 : memref<1x8x128xf32, #tpu.memory_space<vmem>> -> memref<8x128xf32, #tpu.memory_space<vmem>>
    %dma_start3A_783 = arith.constant 8 : i32
    %dma_start3A_784 = tpu.memref_slice %arg4[%dma_start3A_783, %multiple_of3A_735] : memref<32x1000000xf32, #tpu.memory_space<hbm>> -> memref<8x128xf32, #tpu.memory_space<hbm>>
    %dma_start3A_785 = tpu.memref_slice %arg12[%dma_start3A_778] : memref<8x!tpu.dma_semaphore, #tpu.memory_space<semaphore_mem>> -> memref<1x!tpu.dma_semaphore, #tpu.memory_space<semaphore_mem>>
    %dma_start3A_786 = tpu.memref_squeeze %dma_start3A_785 : memref<1x!tpu.dma_semaphore, #tpu.memory_space<semaphore_mem>> -> memref<!tpu.dma_semaphore, #tpu.memory_space<semaphore_mem>>
    %dma_start3A_787 = arith.constant 8 : i32
    %dma_start3A_788 = arith.constant 0 : i32
    %dma_start3A_789 = tpu.memref_slice %arg9[%dma_start3A_777, %dma_start3A_787, %dma_start3A_788] : memref<8x32x128xf32, #tpu.memory_space<vmem>> -> memref<1x8x128xf32, #tpu.memory_space<vmem>>
    %dma_start3A_790 = tpu.memref_squeeze %dma_start3A_789 : memref<1x8x128xf32, #tpu.memory_space<vmem>> -> memref<8x128xf32, #tpu.memory_space<vmem>>
    %dma_start3A_791 = arith.constant 8 : i32
    %dma_start3A_792 = tpu.memref_slice %arg4[%dma_start3A_791, %multiple_of3A_735] : memref<32x1000000xf32, #tpu.memory_space<hbm>> -> memref<8x128xf32, #tpu.memory_space<hbm>>
    tpu.enqueue_dma source(%dma_start3A_792 : memref<8x128xf32, #tpu.memory_space<hbm>>) target(%dma_start3A_790 : memref<8x128xf32, #tpu.memory_space<vmem>>) target_semaphore(%dma_start3A_786 : memref<!tpu.dma_semaphore, #tpu.memory_space<semaphore_mem>>)
    %dma_start3A_793 = arith.constant 5 : i32
    %dma_start3A_794 = arith.constant 5 : i32
    %dma_start3A_795 = arith.constant 8 : i32
    %dma_start3A_796 = arith.constant 0 : i32
    %dma_start3A_797 = tpu.memref_slice %arg10[%dma_start3A_793, %dma_start3A_795, %dma_start3A_796] : memref<8x32x128xf32, #tpu.memory_space<vmem>> -> memref<1x8x128xf32, #tpu.memory_space<vmem>>
    %dma_start3A_798 = tpu.memref_squeeze %dma_start3A_797 : memref<1x8x128xf32, #tpu.memory_space<vmem>> -> memref<8x128xf32, #tpu.memory_space<vmem>>
    %dma_start3A_799 = arith.constant 8 : i32
    %dma_start3A_800 = tpu.memref_slice %arg5[%dma_start3A_799, %multiple_of3A_744] : memref<32x1000000xf32, #tpu.memory_space<hbm>> -> memref<8x128xf32, #tpu.memory_space<hbm>>
    %dma_start3A_801 = tpu.memref_slice %arg13[%dma_start3A_794] : memref<8x!tpu.dma_semaphore, #tpu.memory_space<semaphore_mem>> -> memref<1x!tpu.dma_semaphore, #tpu.memory_space<semaphore_mem>>
    %dma_start3A_802 = tpu.memref_squeeze %dma_start3A_801 : memref<1x!tpu.dma_semaphore, #tpu.memory_space<semaphore_mem>> -> memref<!tpu.dma_semaphore, #tpu.memory_space<semaphore_mem>>
    %dma_start3A_803 = arith.constant 8 : i32
    %dma_start3A_804 = arith.constant 0 : i32
    %dma_start3A_805 = tpu.memref_slice %arg10[%dma_start3A_793, %dma_start3A_803, %dma_start3A_804] : memref<8x32x128xf32, #tpu.memory_space<vmem>> -> memref<1x8x128xf32, #tpu.memory_space<vmem>>
    %dma_start3A_806 = tpu.memref_squeeze %dma_start3A_805 : memref<1x8x128xf32, #tpu.memory_space<vmem>> -> memref<8x128xf32, #tpu.memory_space<vmem>>
    %dma_start3A_807 = arith.constant 8 : i32
    %dma_start3A_808 = tpu.memref_slice %arg5[%dma_start3A_807, %multiple_of3A_744] : memref<32x1000000xf32, #tpu.memory_space<hbm>> -> memref<8x128xf32, #tpu.memory_space<hbm>>
    tpu.enqueue_dma source(%dma_start3A_808 : memref<8x128xf32, #tpu.memory_space<hbm>>) target(%dma_start3A_806 : memref<8x128xf32, #tpu.memory_space<vmem>>) target_semaphore(%dma_start3A_802 : memref<!tpu.dma_semaphore, #tpu.memory_space<semaphore_mem>>)
    %dma_start3A_809 = arith.constant 5 : i32
    %dma_start3A_810 = arith.constant 5 : i32
    %dma_start3A_811 = arith.constant 16 : i32
    %dma_start3A_812 = arith.constant 0 : i32
    %dma_start3A_813 = tpu.memref_slice %arg9[%dma_start3A_809, %dma_start3A_811, %dma_start3A_812] : memref<8x32x128xf32, #tpu.memory_space<vmem>> -> memref<1x8x128xf32, #tpu.memory_space<vmem>>
    %dma_start3A_814 = tpu.memref_squeeze %dma_start3A_813 : memref<1x8x128xf32, #tpu.memory_space<vmem>> -> memref<8x128xf32, #tpu.memory_space<vmem>>
    %dma_start3A_815 = arith.constant 16 : i32
    %dma_start3A_816 = tpu.memref_slice %arg4[%dma_start3A_815, %multiple_of3A_735] : memref<32x1000000xf32, #tpu.memory_space<hbm>> -> memref<8x128xf32, #tpu.memory_space<hbm>>
    %dma_start3A_817 = tpu.memref_slice %arg12[%dma_start3A_810] : memref<8x!tpu.dma_semaphore, #tpu.memory_space<semaphore_mem>> -> memref<1x!tpu.dma_semaphore, #tpu.memory_space<semaphore_mem>>
    %dma_start3A_818 = tpu.memref_squeeze %dma_start3A_817 : memref<1x!tpu.dma_semaphore, #tpu.memory_space<semaphore_mem>> -> memref<!tpu.dma_semaphore, #tpu.memory_space<semaphore_mem>>
    %dma_start3A_819 = arith.constant 16 : i32
    %dma_start3A_820 = arith.constant 0 : i32
    %dma_start3A_821 = tpu.memref_slice %arg9[%dma_start3A_809, %dma_start3A_819, %dma_start3A_820] : memref<8x32x128xf32, #tpu.memory_space<vmem>> -> memref<1x8x128xf32, #tpu.memory_space<vmem>>
    %dma_start3A_822 = tpu.memref_squeeze %dma_start3A_821 : memref<1x8x128xf32, #tpu.memory_space<vmem>> -> memref<8x128xf32, #tpu.memory_space<vmem>>
    %dma_start3A_823 = arith.constant 16 : i32
    %dma_start3A_824 = tpu.memref_slice %arg4[%dma_start3A_823, %multiple_of3A_735] : memref<32x1000000xf32, #tpu.memory_space<hbm>> -> memref<8x128xf32, #tpu.memory_space<hbm>>
    tpu.enqueue_dma source(%dma_start3A_824 : memref<8x128xf32, #tpu.memory_space<hbm>>) target(%dma_start3A_822 : memref<8x128xf32, #tpu.memory_space<vmem>>) target_semaphore(%dma_start3A_818 : memref<!tpu.dma_semaphore, #tpu.memory_space<semaphore_mem>>)
    %dma_start3A_825 = arith.constant 5 : i32
    %dma_start3A_826 = arith.constant 5 : i32
    %dma_start3A_827 = arith.constant 16 : i32
    %dma_start3A_828 = arith.constant 0 : i32
    %dma_start3A_829 = tpu.memref_slice %arg10[%dma_start3A_825, %dma_start3A_827, %dma_start3A_828] : memref<8x32x128xf32, #tpu.memory_space<vmem>> -> memref<1x8x128xf32, #tpu.memory_space<vmem>>
    %dma_start3A_830 = tpu.memref_squeeze %dma_start3A_829 : memref<1x8x128xf32, #tpu.memory_space<vmem>> -> memref<8x128xf32, #tpu.memory_space<vmem>>
    %dma_start3A_831 = arith.constant 16 : i32
    %dma_start3A_832 = tpu.memref_slice %arg5[%dma_start3A_831, %multiple_of3A_744] : memref<32x1000000xf32, #tpu.memory_space<hbm>> -> memref<8x128xf32, #tpu.memory_space<hbm>>
    %dma_start3A_833 = tpu.memref_slice %arg13[%dma_start3A_826] : memref<8x!tpu.dma_semaphore, #tpu.memory_space<semaphore_mem>> -> memref<1x!tpu.dma_semaphore, #tpu.memory_space<semaphore_mem>>
    %dma_start3A_834 = tpu.memref_squeeze %dma_start3A_833 : memref<1x!tpu.dma_semaphore, #tpu.memory_space<semaphore_mem>> -> memref<!tpu.dma_semaphore, #tpu.memory_space<semaphore_mem>>
    %dma_start3A_835 = arith.constant 16 : i32
    %dma_start3A_836 = arith.constant 0 : i32
    %dma_start3A_837 = tpu.memref_slice %arg10[%dma_start3A_825, %dma_start3A_835, %dma_start3A_836] : memref<8x32x128xf32, #tpu.memory_space<vmem>> -> memref<1x8x128xf32, #tpu.memory_space<vmem>>
    %dma_start3A_838 = tpu.memref_squeeze %dma_start3A_837 : memref<1x8x128xf32, #tpu.memory_space<vmem>> -> memref<8x128xf32, #tpu.memory_space<vmem>>
    %dma_start3A_839 = arith.constant 16 : i32
    %dma_start3A_840 = tpu.memref_slice %arg5[%dma_start3A_839, %multiple_of3A_744] : memref<32x1000000xf32, #tpu.memory_space<hbm>> -> memref<8x128xf32, #tpu.memory_space<hbm>>
    tpu.enqueue_dma source(%dma_start3A_840 : memref<8x128xf32, #tpu.memory_space<hbm>>) target(%dma_start3A_838 : memref<8x128xf32, #tpu.memory_space<vmem>>) target_semaphore(%dma_start3A_834 : memref<!tpu.dma_semaphore, #tpu.memory_space<semaphore_mem>>)
    %dma_start3A_841 = arith.constant 5 : i32
    %dma_start3A_842 = arith.constant 5 : i32
    %dma_start3A_843 = arith.constant 24 : i32
    %dma_start3A_844 = arith.constant 0 : i32
    %dma_start3A_845 = tpu.memref_slice %arg9[%dma_start3A_841, %dma_start3A_843, %dma_start3A_844] : memref<8x32x128xf32, #tpu.memory_space<vmem>> -> memref<1x8x128xf32, #tpu.memory_space<vmem>>
    %dma_start3A_846 = tpu.memref_squeeze %dma_start3A_845 : memref<1x8x128xf32, #tpu.memory_space<vmem>> -> memref<8x128xf32, #tpu.memory_space<vmem>>
    %dma_start3A_847 = arith.constant 24 : i32
    %dma_start3A_848 = tpu.memref_slice %arg4[%dma_start3A_847, %multiple_of3A_735] : memref<32x1000000xf32, #tpu.memory_space<hbm>> -> memref<8x128xf32, #tpu.memory_space<hbm>>
    %dma_start3A_849 = tpu.memref_slice %arg12[%dma_start3A_842] : memref<8x!tpu.dma_semaphore, #tpu.memory_space<semaphore_mem>> -> memref<1x!tpu.dma_semaphore, #tpu.memory_space<semaphore_mem>>
    %dma_start3A_850 = tpu.memref_squeeze %dma_start3A_849 : memref<1x!tpu.dma_semaphore, #tpu.memory_space<semaphore_mem>> -> memref<!tpu.dma_semaphore, #tpu.memory_space<semaphore_mem>>
    %dma_start3A_851 = arith.constant 24 : i32
    %dma_start3A_852 = arith.constant 0 : i32
    %dma_start3A_853 = tpu.memref_slice %arg9[%dma_start3A_841, %dma_start3A_851, %dma_start3A_852] : memref<8x32x128xf32, #tpu.memory_space<vmem>> -> memref<1x8x128xf32, #tpu.memory_space<vmem>>
    %dma_start3A_854 = tpu.memref_squeeze %dma_start3A_853 : memref<1x8x128xf32, #tpu.memory_space<vmem>> -> memref<8x128xf32, #tpu.memory_space<vmem>>
    %dma_start3A_855 = arith.constant 24 : i32
    %dma_start3A_856 = tpu.memref_slice %arg4[%dma_start3A_855, %multiple_of3A_735] : memref<32x1000000xf32, #tpu.memory_space<hbm>> -> memref<8x128xf32, #tpu.memory_space<hbm>>
    tpu.enqueue_dma source(%dma_start3A_856 : memref<8x128xf32, #tpu.memory_space<hbm>>) target(%dma_start3A_854 : memref<8x128xf32, #tpu.memory_space<vmem>>) target_semaphore(%dma_start3A_850 : memref<!tpu.dma_semaphore, #tpu.memory_space<semaphore_mem>>)
    %dma_start3A_857 = arith.constant 5 : i32
    %dma_start3A_858 = arith.constant 5 : i32
    %dma_start3A_859 = arith.constant 24 : i32
    %dma_start3A_860 = arith.constant 0 : i32
    %dma_start3A_861 = tpu.memref_slice %arg10[%dma_start3A_857, %dma_start3A_859, %dma_start3A_860] : memref<8x32x128xf32, #tpu.memory_space<vmem>> -> memref<1x8x128xf32, #tpu.memory_space<vmem>>
    %dma_start3A_862 = tpu.memref_squeeze %dma_start3A_861 : memref<1x8x128xf32, #tpu.memory_space<vmem>> -> memref<8x128xf32, #tpu.memory_space<vmem>>
    %dma_start3A_863 = arith.constant 24 : i32
    %dma_start3A_864 = tpu.memref_slice %arg5[%dma_start3A_863, %multiple_of3A_744] : memref<32x1000000xf32, #tpu.memory_space<hbm>> -> memref<8x128xf32, #tpu.memory_space<hbm>>
    %dma_start3A_865 = tpu.memref_slice %arg13[%dma_start3A_858] : memref<8x!tpu.dma_semaphore, #tpu.memory_space<semaphore_mem>> -> memref<1x!tpu.dma_semaphore, #tpu.memory_space<semaphore_mem>>
    %dma_start3A_866 = tpu.memref_squeeze %dma_start3A_865 : memref<1x!tpu.dma_semaphore, #tpu.memory_space<semaphore_mem>> -> memref<!tpu.dma_semaphore, #tpu.memory_space<semaphore_mem>>
    %dma_start3A_867 = arith.constant 24 : i32
    %dma_start3A_868 = arith.constant 0 : i32
    %dma_start3A_869 = tpu.memref_slice %arg10[%dma_start3A_857, %dma_start3A_867, %dma_start3A_868] : memref<8x32x128xf32, #tpu.memory_space<vmem>> -> memref<1x8x128xf32, #tpu.memory_space<vmem>>
    %dma_start3A_870 = tpu.memref_squeeze %dma_start3A_869 : memref<1x8x128xf32, #tpu.memory_space<vmem>> -> memref<8x128xf32, #tpu.memory_space<vmem>>
    %dma_start3A_871 = arith.constant 24 : i32
    %dma_start3A_872 = tpu.memref_slice %arg5[%dma_start3A_871, %multiple_of3A_744] : memref<32x1000000xf32, #tpu.memory_space<hbm>> -> memref<8x128xf32, #tpu.memory_space<hbm>>
    tpu.enqueue_dma source(%dma_start3A_872 : memref<8x128xf32, #tpu.memory_space<hbm>>) target(%dma_start3A_870 : memref<8x128xf32, #tpu.memory_space<vmem>>) target_semaphore(%dma_start3A_866 : memref<!tpu.dma_semaphore, #tpu.memory_space<semaphore_mem>>)
    %get3A_873 = arith.constant 6 : index
    %get3A_874 = tpu.vector_load %arg7[%get3A_873] {strides = array<i32>} : memref<528xi32, #tpu.memory_space<vmem>>, vector<16xi32>,
    %slice3A_875 = vector.extract_strided_slice %get3A_874 {offsets = [0], sizes = [1], strides = [1]} : vector<16xi32> to vector<1xi32>
    %squeeze3A_876 = vector.extract %slice3A_875[0] : i32 from vector<1xi32>
    %shift_right_arithmetic3A_877 = arith.constant 7 : i32
    %shift_right_arithmetic3A_878 = arith.shrsi %squeeze3A_876, %shift_right_arithmetic3A_877 : i32
    %mul3A_879 = arith.constant 128 : i32
    %mul3A_880 = arith.muli %shift_right_arithmetic3A_878, %mul3A_879 : i32
    %multiple_of3A_881 = tpu.assume_multiple %mul3A_880, 128 : i32
    %get3A_882 = arith.constant 6 : index
    %get3A_883 = tpu.vector_load %arg8[%get3A_882] {strides = array<i32>} : memref<528xi32, #tpu.memory_space<vmem>>, vector<16xi32>,
    %slice3A_884 = vector.extract_strided_slice %get3A_883 {offsets = [0], sizes = [1], strides = [1]} : vector<16xi32> to vector<1xi32>
    %squeeze3A_885 = vector.extract %slice3A_884[0] : i32 from vector<1xi32>
    %shift_right_arithmetic3A_886 = arith.constant 7 : i32
    %shift_right_arithmetic3A_887 = arith.shrsi %squeeze3A_885, %shift_right_arithmetic3A_886 : i32
    %mul3A_888 = arith.constant 128 : i32
    %mul3A_889 = arith.muli %shift_right_arithmetic3A_887, %mul3A_888 : i32
    %multiple_of3A_890 = tpu.assume_multiple %mul3A_889, 128 : i32
    %dma_start3A_891 = arith.constant 6 : i32
    %dma_start3A_892 = arith.constant 6 : i32
    %dma_start3A_893 = arith.constant 0 : i32
    %dma_start3A_894 = arith.constant 0 : i32
    %dma_start3A_895 = tpu.memref_slice %arg9[%dma_start3A_891, %dma_start3A_893, %dma_start3A_894] : memref<8x32x128xf32, #tpu.memory_space<vmem>> -> memref<1x8x128xf32, #tpu.memory_space<vmem>>
    %dma_start3A_896 = tpu.memref_squeeze %dma_start3A_895 : memref<1x8x128xf32, #tpu.memory_space<vmem>> -> memref<8x128xf32, #tpu.memory_space<vmem>>
    %dma_start3A_897 = arith.constant 0 : i32
    %dma_start3A_898 = tpu.memref_slice %arg4[%dma_start3A_897, %multiple_of3A_881] : memref<32x1000000xf32, #tpu.memory_space<hbm>> -> memref<8x128xf32, #tpu.memory_space<hbm>>
    %dma_start3A_899 = tpu.memref_slice %arg12[%dma_start3A_892] : memref<8x!tpu.dma_semaphore, #tpu.memory_space<semaphore_mem>> -> memref<1x!tpu.dma_semaphore, #tpu.memory_space<semaphore_mem>>
    %dma_start3A_900 = tpu.memref_squeeze %dma_start3A_899 : memref<1x!tpu.dma_semaphore, #tpu.memory_space<semaphore_mem>> -> memref<!tpu.dma_semaphore, #tpu.memory_space<semaphore_mem>>
    %dma_start3A_901 = arith.constant 0 : i32
    %dma_start3A_902 = arith.constant 0 : i32
    %dma_start3A_903 = tpu.memref_slice %arg9[%dma_start3A_891, %dma_start3A_901, %dma_start3A_902] : memref<8x32x128xf32, #tpu.memory_space<vmem>> -> memref<1x8x128xf32, #tpu.memory_space<vmem>>
    %dma_start3A_904 = tpu.memref_squeeze %dma_start3A_903 : memref<1x8x128xf32, #tpu.memory_space<vmem>> -> memref<8x128xf32, #tpu.memory_space<vmem>>
    %dma_start3A_905 = arith.constant 0 : i32
    %dma_start3A_906 = tpu.memref_slice %arg4[%dma_start3A_905, %multiple_of3A_881] : memref<32x1000000xf32, #tpu.memory_space<hbm>> -> memref<8x128xf32, #tpu.memory_space<hbm>>
    tpu.enqueue_dma source(%dma_start3A_906 : memref<8x128xf32, #tpu.memory_space<hbm>>) target(%dma_start3A_904 : memref<8x128xf32, #tpu.memory_space<vmem>>) target_semaphore(%dma_start3A_900 : memref<!tpu.dma_semaphore, #tpu.memory_space<semaphore_mem>>)
    %dma_start3A_907 = arith.constant 6 : i32
    %dma_start3A_908 = arith.constant 6 : i32
    %dma_start3A_909 = arith.constant 0 : i32
    %dma_start3A_910 = arith.constant 0 : i32
    %dma_start3A_911 = tpu.memref_slice %arg10[%dma_start3A_907, %dma_start3A_909, %dma_start3A_910] : memref<8x32x128xf32, #tpu.memory_space<vmem>> -> memref<1x8x128xf32, #tpu.memory_space<vmem>>
    %dma_start3A_912 = tpu.memref_squeeze %dma_start3A_911 : memref<1x8x128xf32, #tpu.memory_space<vmem>> -> memref<8x128xf32, #tpu.memory_space<vmem>>
    %dma_start3A_913 = arith.constant 0 : i32
    %dma_start3A_914 = tpu.memref_slice %arg5[%dma_start3A_913, %multiple_of3A_890] : memref<32x1000000xf32, #tpu.memory_space<hbm>> -> memref<8x128xf32, #tpu.memory_space<hbm>>
    %dma_start3A_915 = tpu.memref_slice %arg13[%dma_start3A_908] : memref<8x!tpu.dma_semaphore, #tpu.memory_space<semaphore_mem>> -> memref<1x!tpu.dma_semaphore, #tpu.memory_space<semaphore_mem>>
    %dma_start3A_916 = tpu.memref_squeeze %dma_start3A_915 : memref<1x!tpu.dma_semaphore, #tpu.memory_space<semaphore_mem>> -> memref<!tpu.dma_semaphore, #tpu.memory_space<semaphore_mem>>
    %dma_start3A_917 = arith.constant 0 : i32
    %dma_start3A_918 = arith.constant 0 : i32
    %dma_start3A_919 = tpu.memref_slice %arg10[%dma_start3A_907, %dma_start3A_917, %dma_start3A_918] : memref<8x32x128xf32, #tpu.memory_space<vmem>> -> memref<1x8x128xf32, #tpu.memory_space<vmem>>
    %dma_start3A_920 = tpu.memref_squeeze %dma_start3A_919 : memref<1x8x128xf32, #tpu.memory_space<vmem>> -> memref<8x128xf32, #tpu.memory_space<vmem>>
    %dma_start3A_921 = arith.constant 0 : i32
    %dma_start3A_922 = tpu.memref_slice %arg5[%dma_start3A_921, %multiple_of3A_890] : memref<32x1000000xf32, #tpu.memory_space<hbm>> -> memref<8x128xf32, #tpu.memory_space<hbm>>
    tpu.enqueue_dma source(%dma_start3A_922 : memref<8x128xf32, #tpu.memory_space<hbm>>) target(%dma_start3A_920 : memref<8x128xf32, #tpu.memory_space<vmem>>) target_semaphore(%dma_start3A_916 : memref<!tpu.dma_semaphore, #tpu.memory_space<semaphore_mem>>)
    %dma_start3A_923 = arith.constant 6 : i32
    %dma_start3A_924 = arith.constant 6 : i32
    %dma_start3A_925 = arith.constant 8 : i32
    %dma_start3A_926 = arith.constant 0 : i32
    %dma_start3A_927 = tpu.memref_slice %arg9[%dma_start3A_923, %dma_start3A_925, %dma_start3A_926] : memref<8x32x128xf32, #tpu.memory_space<vmem>> -> memref<1x8x128xf32, #tpu.memory_space<vmem>>
    %dma_start3A_928 = tpu.memref_squeeze %dma_start3A_927 : memref<1x8x128xf32, #tpu.memory_space<vmem>> -> memref<8x128xf32, #tpu.memory_space<vmem>>
    %dma_start3A_929 = arith.constant 8 : i32
    %dma_start3A_930 = tpu.memref_slice %arg4[%dma_start3A_929, %multiple_of3A_881] : memref<32x1000000xf32, #tpu.memory_space<hbm>> -> memref<8x128xf32, #tpu.memory_space<hbm>>
    %dma_start3A_931 = tpu.memref_slice %arg12[%dma_start3A_924] : memref<8x!tpu.dma_semaphore, #tpu.memory_space<semaphore_mem>> -> memref<1x!tpu.dma_semaphore, #tpu.memory_space<semaphore_mem>>
    %dma_start3A_932 = tpu.memref_squeeze %dma_start3A_931 : memref<1x!tpu.dma_semaphore, #tpu.memory_space<semaphore_mem>> -> memref<!tpu.dma_semaphore, #tpu.memory_space<semaphore_mem>>
    %dma_start3A_933 = arith.constant 8 : i32
    %dma_start3A_934 = arith.constant 0 : i32
    %dma_start3A_935 = tpu.memref_slice %arg9[%dma_start3A_923, %dma_start3A_933, %dma_start3A_934] : memref<8x32x128xf32, #tpu.memory_space<vmem>> -> memref<1x8x128xf32, #tpu.memory_space<vmem>>
    %dma_start3A_936 = tpu.memref_squeeze %dma_start3A_935 : memref<1x8x128xf32, #tpu.memory_space<vmem>> -> memref<8x128xf32, #tpu.memory_space<vmem>>
    %dma_start3A_937 = arith.constant 8 : i32
    %dma_start3A_938 = tpu.memref_slice %arg4[%dma_start3A_937, %multiple_of3A_881] : memref<32x1000000xf32, #tpu.memory_space<hbm>> -> memref<8x128xf32, #tpu.memory_space<hbm>>
    tpu.enqueue_dma source(%dma_start3A_938 : memref<8x128xf32, #tpu.memory_space<hbm>>) target(%dma_start3A_936 : memref<8x128xf32, #tpu.memory_space<vmem>>) target_semaphore(%dma_start3A_932 : memref<!tpu.dma_semaphore, #tpu.memory_space<semaphore_mem>>)
    %dma_start3A_939 = arith.constant 6 : i32
    %dma_start3A_940 = arith.constant 6 : i32
    %dma_start3A_941 = arith.constant 8 : i32
    %dma_start3A_942 = arith.constant 0 : i32
    %dma_start3A_943 = tpu.memref_slice %arg10[%dma_start3A_939, %dma_start3A_941, %dma_start3A_942] : memref<8x32x128xf32, #tpu.memory_space<vmem>> -> memref<1x8x128xf32, #tpu.memory_space<vmem>>
    %dma_start3A_944 = tpu.memref_squeeze %dma_start3A_943 : memref<1x8x128xf32, #tpu.memory_space<vmem>> -> memref<8x128xf32, #tpu.memory_space<vmem>>
    %dma_start3A_945 = arith.constant 8 : i32
    %dma_start3A_946 = tpu.memref_slice %arg5[%dma_start3A_945, %multiple_of3A_890] : memref<32x1000000xf32, #tpu.memory_space<hbm>> -> memref<8x128xf32, #tpu.memory_space<hbm>>
    %dma_start3A_947 = tpu.memref_slice %arg13[%dma_start3A_940] : memref<8x!tpu.dma_semaphore, #tpu.memory_space<semaphore_mem>> -> memref<1x!tpu.dma_semaphore, #tpu.memory_space<semaphore_mem>>
    %dma_start3A_948 = tpu.memref_squeeze %dma_start3A_947 : memref<1x!tpu.dma_semaphore, #tpu.memory_space<semaphore_mem>> -> memref<!tpu.dma_semaphore, #tpu.memory_space<semaphore_mem>>
    %dma_start3A_949 = arith.constant 8 : i32
    %dma_start3A_950 = arith.constant 0 : i32
    %dma_start3A_951 = tpu.memref_slice %arg10[%dma_start3A_939, %dma_start3A_949, %dma_start3A_950] : memref<8x32x128xf32, #tpu.memory_space<vmem>> -> memref<1x8x128xf32, #tpu.memory_space<vmem>>
    %dma_start3A_952 = tpu.memref_squeeze %dma_start3A_951 : memref<1x8x128xf32, #tpu.memory_space<vmem>> -> memref<8x128xf32, #tpu.memory_space<vmem>>
    %dma_start3A_953 = arith.constant 8 : i32
    %dma_start3A_954 = tpu.memref_slice %arg5[%dma_start3A_953, %multiple_of3A_890] : memref<32x1000000xf32, #tpu.memory_space<hbm>> -> memref<8x128xf32, #tpu.memory_space<hbm>>
    tpu.enqueue_dma source(%dma_start3A_954 : memref<8x128xf32, #tpu.memory_space<hbm>>) target(%dma_start3A_952 : memref<8x128xf32, #tpu.memory_space<vmem>>) target_semaphore(%dma_start3A_948 : memref<!tpu.dma_semaphore, #tpu.memory_space<semaphore_mem>>)
    %dma_start3A_955 = arith.constant 6 : i32
    %dma_start3A_956 = arith.constant 6 : i32
    %dma_start3A_957 = arith.constant 16 : i32
    %dma_start3A_958 = arith.constant 0 : i32
    %dma_start3A_959 = tpu.memref_slice %arg9[%dma_start3A_955, %dma_start3A_957, %dma_start3A_958] : memref<8x32x128xf32, #tpu.memory_space<vmem>> -> memref<1x8x128xf32, #tpu.memory_space<vmem>>
    %dma_start3A_960 = tpu.memref_squeeze %dma_start3A_959 : memref<1x8x128xf32, #tpu.memory_space<vmem>> -> memref<8x128xf32, #tpu.memory_space<vmem>>
    %dma_start3A_961 = arith.constant 16 : i32
    %dma_start3A_962 = tpu.memref_slice %arg4[%dma_start3A_961, %multiple_of3A_881] : memref<32x1000000xf32, #tpu.memory_space<hbm>> -> memref<8x128xf32, #tpu.memory_space<hbm>>
    %dma_start3A_963 = tpu.memref_slice %arg12[%dma_start3A_956] : memref<8x!tpu.dma_semaphore, #tpu.memory_space<semaphore_mem>> -> memref<1x!tpu.dma_semaphore, #tpu.memory_space<semaphore_mem>>
    %dma_start3A_964 = tpu.memref_squeeze %dma_start3A_963 : memref<1x!tpu.dma_semaphore, #tpu.memory_space<semaphore_mem>> -> memref<!tpu.dma_semaphore, #tpu.memory_space<semaphore_mem>>
    %dma_start3A_965 = arith.constant 16 : i32
    %dma_start3A_966 = arith.constant 0 : i32
    %dma_start3A_967 = tpu.memref_slice %arg9[%dma_start3A_955, %dma_start3A_965, %dma_start3A_966] : memref<8x32x128xf32, #tpu.memory_space<vmem>> -> memref<1x8x128xf32, #tpu.memory_space<vmem>>
    %dma_start3A_968 = tpu.memref_squeeze %dma_start3A_967 : memref<1x8x128xf32, #tpu.memory_space<vmem>> -> memref<8x128xf32, #tpu.memory_space<vmem>>
    %dma_start3A_969 = arith.constant 16 : i32
    %dma_start3A_970 = tpu.memref_slice %arg4[%dma_start3A_969, %multiple_of3A_881] : memref<32x1000000xf32, #tpu.memory_space<hbm>> -> memref<8x128xf32, #tpu.memory_space<hbm>>
    tpu.enqueue_dma source(%dma_start3A_970 : memref<8x128xf32, #tpu.memory_space<hbm>>) target(%dma_start3A_968 : memref<8x128xf32, #tpu.memory_space<vmem>>) target_semaphore(%dma_start3A_964 : memref<!tpu.dma_semaphore, #tpu.memory_space<semaphore_mem>>)
    %dma_start3A_971 = arith.constant 6 : i32
    %dma_start3A_972 = arith.constant 6 : i32
    %dma_start3A_973 = arith.constant 16 : i32
    %dma_start3A_974 = arith.constant 0 : i32
    %dma_start3A_975 = tpu.memref_slice %arg10[%dma_start3A_971, %dma_start3A_973, %dma_start3A_974] : memref<8x32x128xf32, #tpu.memory_space<vmem>> -> memref<1x8x128xf32, #tpu.memory_space<vmem>>
    %dma_start3A_976 = tpu.memref_squeeze %dma_start3A_975 : memref<1x8x128xf32, #tpu.memory_space<vmem>> -> memref<8x128xf32, #tpu.memory_space<vmem>>
    %dma_start3A_977 = arith.constant 16 : i32
    %dma_start3A_978 = tpu.memref_slice %arg5[%dma_start3A_977, %multiple_of3A_890] : memref<32x1000000xf32, #tpu.memory_space<hbm>> -> memref<8x128xf32, #tpu.memory_space<hbm>>
    %dma_start3A_979 = tpu.memref_slice %arg13[%dma_start3A_972] : memref<8x!tpu.dma_semaphore, #tpu.memory_space<semaphore_mem>> -> memref<1x!tpu.dma_semaphore, #tpu.memory_space<semaphore_mem>>
    %dma_start3A_980 = tpu.memref_squeeze %dma_start3A_979 : memref<1x!tpu.dma_semaphore, #tpu.memory_space<semaphore_mem>> -> memref<!tpu.dma_semaphore, #tpu.memory_space<semaphore_mem>>
    %dma_start3A_981 = arith.constant 16 : i32
    %dma_start3A_982 = arith.constant 0 : i32
    %dma_start3A_983 = tpu.memref_slice %arg10[%dma_start3A_971, %dma_start3A_981, %dma_start3A_982] : memref<8x32x128xf32, #tpu.memory_space<vmem>> -> memref<1x8x128xf32, #tpu.memory_space<vmem>>
    %dma_start3A_984 = tpu.memref_squeeze %dma_start3A_983 : memref<1x8x128xf32, #tpu.memory_space<vmem>> -> memref<8x128xf32, #tpu.memory_space<vmem>>
    %dma_start3A_985 = arith.constant 16 : i32
    %dma_start3A_986 = tpu.memref_slice %arg5[%dma_start3A_985, %multiple_of3A_890] : memref<32x1000000xf32, #tpu.memory_space<hbm>> -> memref<8x128xf32, #tpu.memory_space<hbm>>
    tpu.enqueue_dma source(%dma_start3A_986 : memref<8x128xf32, #tpu.memory_space<hbm>>) target(%dma_start3A_984 : memref<8x128xf32, #tpu.memory_space<vmem>>) target_semaphore(%dma_start3A_980 : memref<!tpu.dma_semaphore, #tpu.memory_space<semaphore_mem>>)
    %dma_start3A_987 = arith.constant 6 : i32
    %dma_start3A_988 = arith.constant 6 : i32
    %dma_start3A_989 = arith.constant 24 : i32
    %dma_start3A_990 = arith.constant 0 : i32
    %dma_start3A_991 = tpu.memref_slice %arg9[%dma_start3A_987, %dma_start3A_989, %dma_start3A_990] : memref<8x32x128xf32, #tpu.memory_space<vmem>> -> memref<1x8x128xf32, #tpu.memory_space<vmem>>
    %dma_start3A_992 = tpu.memref_squeeze %dma_start3A_991 : memref<1x8x128xf32, #tpu.memory_space<vmem>> -> memref<8x128xf32, #tpu.memory_space<vmem>>
    %dma_start3A_993 = arith.constant 24 : i32
    %dma_start3A_994 = tpu.memref_slice %arg4[%dma_start3A_993, %multiple_of3A_881] : memref<32x1000000xf32, #tpu.memory_space<hbm>> -> memref<8x128xf32, #tpu.memory_space<hbm>>
    %dma_start3A_995 = tpu.memref_slice %arg12[%dma_start3A_988] : memref<8x!tpu.dma_semaphore, #tpu.memory_space<semaphore_mem>> -> memref<1x!tpu.dma_semaphore, #tpu.memory_space<semaphore_mem>>
    %dma_start3A_996 = tpu.memref_squeeze %dma_start3A_995 : memref<1x!tpu.dma_semaphore, #tpu.memory_space<semaphore_mem>> -> memref<!tpu.dma_semaphore, #tpu.memory_space<semaphore_mem>>
    %dma_start3A_997 = arith.constant 24 : i32
    %dma_start3A_998 = arith.constant 0 : i32
    %dma_start3A_999 = tpu.memref_slice %arg9[%dma_start3A_987, %dma_start3A_997, %dma_start3A_998] : memref<8x32x128xf32, #tpu.memory_space<vmem>> -> memref<1x8x128xf32, #tpu.memory_space<vmem>>
    %dma_start3A_1000 = tpu.memref_squeeze %dma_start3A_999 : memref<1x8x128xf32, #tpu.memory_space<vmem>> -> memref<8x128xf32, #tpu.memory_space<vmem>>
    %dma_start3A_1001 = arith.constant 24 : i32
    %dma_start3A_1002 = tpu.memref_slice %arg4[%dma_start3A_1001, %multiple_of3A_881] : memref<32x1000000xf32, #tpu.memory_space<hbm>> -> memref<8x128xf32, #tpu.memory_space<hbm>>
    tpu.enqueue_dma source(%dma_start3A_1002 : memref<8x128xf32, #tpu.memory_space<hbm>>) target(%dma_start3A_1000 : memref<8x128xf32, #tpu.memory_space<vmem>>) target_semaphore(%dma_start3A_996 : memref<!tpu.dma_semaphore, #tpu.memory_space<semaphore_mem>>)
    %dma_start3A_1003 = arith.constant 6 : i32
    %dma_start3A_1004 = arith.constant 6 : i32
    %dma_start3A_1005 = arith.constant 24 : i32
    %dma_start3A_1006 = arith.constant 0 : i32
    %dma_start3A_1007 = tpu.memref_slice %arg10[%dma_start3A_1003, %dma_start3A_1005, %dma_start3A_1006] : memref<8x32x128xf32, #tpu.memory_space<vmem>> -> memref<1x8x128xf32, #tpu.memory_space<vmem>>
    %dma_start3A_1008 = tpu.memref_squeeze %dma_start3A_1007 : memref<1x8x128xf32, #tpu.memory_space<vmem>> -> memref<8x128xf32, #tpu.memory_space<vmem>>
    %dma_start3A_1009 = arith.constant 24 : i32
    %dma_start3A_1010 = tpu.memref_slice %arg5[%dma_start3A_1009, %multiple_of3A_890] : memref<32x1000000xf32, #tpu.memory_space<hbm>> -> memref<8x128xf32, #tpu.memory_space<hbm>>
    %dma_start3A_1011 = tpu.memref_slice %arg13[%dma_start3A_1004] : memref<8x!tpu.dma_semaphore, #tpu.memory_space<semaphore_mem>> -> memref<1x!tpu.dma_semaphore, #tpu.memory_space<semaphore_mem>>
    %dma_start3A_1012 = tpu.memref_squeeze %dma_start3A_1011 : memref<1x!tpu.dma_semaphore, #tpu.memory_space<semaphore_mem>> -> memref<!tpu.dma_semaphore, #tpu.memory_space<semaphore_mem>>
    %dma_start3A_1013 = arith.constant 24 : i32
    %dma_start3A_1014 = arith.constant 0 : i32
    %dma_start3A_1015 = tpu.memref_slice %arg10[%dma_start3A_1003, %dma_start3A_1013, %dma_start3A_1014] : memref<8x32x128xf32, #tpu.memory_space<vmem>> -> memref<1x8x128xf32, #tpu.memory_space<vmem>>
    %dma_start3A_1016 = tpu.memref_squeeze %dma_start3A_1015 : memref<1x8x128xf32, #tpu.memory_space<vmem>> -> memref<8x128xf32, #tpu.memory_space<vmem>>
    %dma_start3A_1017 = arith.constant 24 : i32
    %dma_start3A_1018 = tpu.memref_slice %arg5[%dma_start3A_1017, %multiple_of3A_890] : memref<32x1000000xf32, #tpu.memory_space<hbm>> -> memref<8x128xf32, #tpu.memory_space<hbm>>
    tpu.enqueue_dma source(%dma_start3A_1018 : memref<8x128xf32, #tpu.memory_space<hbm>>) target(%dma_start3A_1016 : memref<8x128xf32, #tpu.memory_space<vmem>>) target_semaphore(%dma_start3A_1012 : memref<!tpu.dma_semaphore, #tpu.memory_space<semaphore_mem>>)
    %iota3A = tpu.iota {dimensions = array<i32: 0>} : vector<16xi32>
    %add3A_1019 = arith.constant 16 : i32
    %add3A_1020 = vector.broadcast %add3A_1019 : i32 to vector<16xi32>
    %add3A_1021 = arith.addi %iota3A, %add3A_1020 : vector<16xi32>
    %scan3A = arith.constant 0 : i32
    %scan3A_1022 = arith.constant 0 : i32
    %scan3A_1023 = arith.constant 512 : i32
    %scan3A_1024 = arith.addi %scan3A_1022, %scan3A_1023 : i32
    %scan3A_1025 = arith.constant 1 : i32
    %scan3A_1026 = scf.for %scan3A_1028 = %scan3A_1022 to %scan3A_1024 step %scan3A_1025 iter_args(%scan3A_1029 = %scan3A) -> (i32)  : i32 {
      %rem3A = arith.constant 8 : i32
      %rem3A_1030 = arith.remsi %scan3A_1028, %rem3A : i32
      %add3A_1031 = arith.constant 7 : i32
      %add3A_1032 = arith.addi %scan3A_1028, %add3A_1031 : i32
      %lt3A = arith.constant 512 : i32
      %lt3A_1033 = arith.cmpi slt, %add3A_1032, %lt3A : i32
      %convert_element_type3A = arith.extui %lt3A_1033 : i1 to i32
      %cond3A = arith.constant 0 : i32
      %cond3A_1034 = arith.cmpi ne, %convert_element_type3A, %cond3A : i32
      scf.if %cond3A_1034 {
        %rem3A_1101 = arith.constant 8 : i32
        %rem3A_1102 = arith.remsi %add3A_1032, %rem3A_1101 : i32
        %get3A_1103 = arith.index_cast %add3A_1032 : i32 to index
        %get3A_1104 = tpu.vector_load %arg7[%get3A_1103] {strides = array<i32>} : memref<528xi32, #tpu.memory_space<vmem>>, vector<16xi32>,
        %slice3A_1105 = vector.extract_strided_slice %get3A_1104 {offsets = [0], sizes = [1], strides = [1]} : vector<16xi32> to vector<1xi32>
        %squeeze3A_1106 = vector.extract %slice3A_1105[0] : i32 from vector<1xi32>
        %shift_right_arithmetic3A_1107 = arith.constant 7 : i32
        %shift_right_arithmetic3A_1108 = arith.shrsi %squeeze3A_1106, %shift_right_arithmetic3A_1107 : i32
        %mul3A_1109 = arith.constant 128 : i32
        %mul3A_1110 = arith.muli %shift_right_arithmetic3A_1108, %mul3A_1109 : i32
        %multiple_of3A_1111 = tpu.assume_multiple %mul3A_1110, 128 : i32
        %get3A_1112 = arith.index_cast %add3A_1032 : i32 to index
        %get3A_1113 = tpu.vector_load %arg8[%get3A_1112] {strides = array<i32>} : memref<528xi32, #tpu.memory_space<vmem>>, vector<16xi32>,
        %slice3A_1114 = vector.extract_strided_slice %get3A_1113 {offsets = [0], sizes = [1], strides = [1]} : vector<16xi32> to vector<1xi32>
        %squeeze3A_1115 = vector.extract %slice3A_1114[0] : i32 from vector<1xi32>
        %shift_right_arithmetic3A_1116 = arith.constant 7 : i32
        %shift_right_arithmetic3A_1117 = arith.shrsi %squeeze3A_1115, %shift_right_arithmetic3A_1116 : i32
        %mul3A_1118 = arith.constant 128 : i32
        %mul3A_1119 = arith.muli %shift_right_arithmetic3A_1117, %mul3A_1118 : i32
        %multiple_of3A_1120 = tpu.assume_multiple %mul3A_1119, 128 : i32
        %dma_start3A_1121 = arith.constant 0 : i32
        %dma_start3A_1122 = arith.constant 0 : i32
        %dma_start3A_1123 = tpu.memref_slice %arg9[%rem3A_1102, %dma_start3A_1121, %dma_start3A_1122] : memref<8x32x128xf32, #tpu.memory_space<vmem>> -> memref<1x8x128xf32, #tpu.memory_space<vmem>>
        %dma_start3A_1124 = tpu.memref_squeeze %dma_start3A_1123 : memref<1x8x128xf32, #tpu.memory_space<vmem>> -> memref<8x128xf32, #tpu.memory_space<vmem>>
        %dma_start3A_1125 = arith.constant 0 : i32
        %dma_start3A_1126 = tpu.memref_slice %arg4[%dma_start3A_1125, %multiple_of3A_1111] : memref<32x1000000xf32, #tpu.memory_space<hbm>> -> memref<8x128xf32, #tpu.memory_space<hbm>>
        %dma_start3A_1127 = tpu.memref_slice %arg12[%rem3A_1102] : memref<8x!tpu.dma_semaphore, #tpu.memory_space<semaphore_mem>> -> memref<1x!tpu.dma_semaphore, #tpu.memory_space<semaphore_mem>>
        %dma_start3A_1128 = tpu.memref_squeeze %dma_start3A_1127 : memref<1x!tpu.dma_semaphore, #tpu.memory_space<semaphore_mem>> -> memref<!tpu.dma_semaphore, #tpu.memory_space<semaphore_mem>>
        %dma_start3A_1129 = arith.constant 0 : i32
        %dma_start3A_1130 = arith.constant 0 : i32
        %dma_start3A_1131 = tpu.memref_slice %arg9[%rem3A_1102, %dma_start3A_1129, %dma_start3A_1130] : memref<8x32x128xf32, #tpu.memory_space<vmem>> -> memref<1x8x128xf32, #tpu.memory_space<vmem>>
        %dma_start3A_1132 = tpu.memref_squeeze %dma_start3A_1131 : memref<1x8x128xf32, #tpu.memory_space<vmem>> -> memref<8x128xf32, #tpu.memory_space<vmem>>
        %dma_start3A_1133 = arith.constant 0 : i32
        %dma_start3A_1134 = tpu.memref_slice %arg4[%dma_start3A_1133, %multiple_of3A_1111] : memref<32x1000000xf32, #tpu.memory_space<hbm>> -> memref<8x128xf32, #tpu.memory_space<hbm>>
        tpu.enqueue_dma source(%dma_start3A_1134 : memref<8x128xf32, #tpu.memory_space<hbm>>) target(%dma_start3A_1132 : memref<8x128xf32, #tpu.memory_space<vmem>>) target_semaphore(%dma_start3A_1128 : memref<!tpu.dma_semaphore, #tpu.memory_space<semaphore_mem>>)
        %dma_start3A_1135 = arith.constant 0 : i32
        %dma_start3A_1136 = arith.constant 0 : i32
        %dma_start3A_1137 = tpu.memref_slice %arg10[%rem3A_1102, %dma_start3A_1135, %dma_start3A_1136] : memref<8x32x128xf32, #tpu.memory_space<vmem>> -> memref<1x8x128xf32, #tpu.memory_space<vmem>>
        %dma_start3A_1138 = tpu.memref_squeeze %dma_start3A_1137 : memref<1x8x128xf32, #tpu.memory_space<vmem>> -> memref<8x128xf32, #tpu.memory_space<vmem>>
        %dma_start3A_1139 = arith.constant 0 : i32
        %dma_start3A_1140 = tpu.memref_slice %arg5[%dma_start3A_1139, %multiple_of3A_1120] : memref<32x1000000xf32, #tpu.memory_space<hbm>> -> memref<8x128xf32, #tpu.memory_space<hbm>>
        %dma_start3A_1141 = tpu.memref_slice %arg13[%rem3A_1102] : memref<8x!tpu.dma_semaphore, #tpu.memory_space<semaphore_mem>> -> memref<1x!tpu.dma_semaphore, #tpu.memory_space<semaphore_mem>>
        %dma_start3A_1142 = tpu.memref_squeeze %dma_start3A_1141 : memref<1x!tpu.dma_semaphore, #tpu.memory_space<semaphore_mem>> -> memref<!tpu.dma_semaphore, #tpu.memory_space<semaphore_mem>>
        %dma_start3A_1143 = arith.constant 0 : i32
        %dma_start3A_1144 = arith.constant 0 : i32
        %dma_start3A_1145 = tpu.memref_slice %arg10[%rem3A_1102, %dma_start3A_1143, %dma_start3A_1144] : memref<8x32x128xf32, #tpu.memory_space<vmem>> -> memref<1x8x128xf32, #tpu.memory_space<vmem>>
        %dma_start3A_1146 = tpu.memref_squeeze %dma_start3A_1145 : memref<1x8x128xf32, #tpu.memory_space<vmem>> -> memref<8x128xf32, #tpu.memory_space<vmem>>
        %dma_start3A_1147 = arith.constant 0 : i32
        %dma_start3A_1148 = tpu.memref_slice %arg5[%dma_start3A_1147, %multiple_of3A_1120] : memref<32x1000000xf32, #tpu.memory_space<hbm>> -> memref<8x128xf32, #tpu.memory_space<hbm>>
        tpu.enqueue_dma source(%dma_start3A_1148 : memref<8x128xf32, #tpu.memory_space<hbm>>) target(%dma_start3A_1146 : memref<8x128xf32, #tpu.memory_space<vmem>>) target_semaphore(%dma_start3A_1142 : memref<!tpu.dma_semaphore, #tpu.memory_space<semaphore_mem>>)
        %dma_start3A_1149 = arith.constant 8 : i32
        %dma_start3A_1150 = arith.constant 0 : i32
        %dma_start3A_1151 = tpu.memref_slice %arg9[%rem3A_1102, %dma_start3A_1149, %dma_start3A_1150] : memref<8x32x128xf32, #tpu.memory_space<vmem>> -> memref<1x8x128xf32, #tpu.memory_space<vmem>>
        %dma_start3A_1152 = tpu.memref_squeeze %dma_start3A_1151 : memref<1x8x128xf32, #tpu.memory_space<vmem>> -> memref<8x128xf32, #tpu.memory_space<vmem>>
        %dma_start3A_1153 = arith.constant 8 : i32
        %dma_start3A_1154 = tpu.memref_slice %arg4[%dma_start3A_1153, %multiple_of3A_1111] : memref<32x1000000xf32, #tpu.memory_space<hbm>> -> memref<8x128xf32, #tpu.memory_space<hbm>>
        %dma_start3A_1155 = tpu.memref_slice %arg12[%rem3A_1102] : memref<8x!tpu.dma_semaphore, #tpu.memory_space<semaphore_mem>> -> memref<1x!tpu.dma_semaphore, #tpu.memory_space<semaphore_mem>>
        %dma_start3A_1156 = tpu.memref_squeeze %dma_start3A_1155 : memref<1x!tpu.dma_semaphore, #tpu.memory_space<semaphore_mem>> -> memref<!tpu.dma_semaphore, #tpu.memory_space<semaphore_mem>>
        %dma_start3A_1157 = arith.constant 8 : i32
        %dma_start3A_1158 = arith.constant 0 : i32
        %dma_start3A_1159 = tpu.memref_slice %arg9[%rem3A_1102, %dma_start3A_1157, %dma_start3A_1158] : memref<8x32x128xf32, #tpu.memory_space<vmem>> -> memref<1x8x128xf32, #tpu.memory_space<vmem>>
        %dma_start3A_1160 = tpu.memref_squeeze %dma_start3A_1159 : memref<1x8x128xf32, #tpu.memory_space<vmem>> -> memref<8x128xf32, #tpu.memory_space<vmem>>
        %dma_start3A_1161 = arith.constant 8 : i32
        %dma_start3A_1162 = tpu.memref_slice %arg4[%dma_start3A_1161, %multiple_of3A_1111] : memref<32x1000000xf32, #tpu.memory_space<hbm>> -> memref<8x128xf32, #tpu.memory_space<hbm>>
        tpu.enqueue_dma source(%dma_start3A_1162 : memref<8x128xf32, #tpu.memory_space<hbm>>) target(%dma_start3A_1160 : memref<8x128xf32, #tpu.memory_space<vmem>>) target_semaphore(%dma_start3A_1156 : memref<!tpu.dma_semaphore, #tpu.memory_space<semaphore_mem>>)
        %dma_start3A_1163 = arith.constant 8 : i32
        %dma_start3A_1164 = arith.constant 0 : i32
        %dma_start3A_1165 = tpu.memref_slice %arg10[%rem3A_1102, %dma_start3A_1163, %dma_start3A_1164] : memref<8x32x128xf32, #tpu.memory_space<vmem>> -> memref<1x8x128xf32, #tpu.memory_space<vmem>>
        %dma_start3A_1166 = tpu.memref_squeeze %dma_start3A_1165 : memref<1x8x128xf32, #tpu.memory_space<vmem>> -> memref<8x128xf32, #tpu.memory_space<vmem>>
        %dma_start3A_1167 = arith.constant 8 : i32
        %dma_start3A_1168 = tpu.memref_slice %arg5[%dma_start3A_1167, %multiple_of3A_1120] : memref<32x1000000xf32, #tpu.memory_space<hbm>> -> memref<8x128xf32, #tpu.memory_space<hbm>>
        %dma_start3A_1169 = tpu.memref_slice %arg13[%rem3A_1102] : memref<8x!tpu.dma_semaphore, #tpu.memory_space<semaphore_mem>> -> memref<1x!tpu.dma_semaphore, #tpu.memory_space<semaphore_mem>>
        %dma_start3A_1170 = tpu.memref_squeeze %dma_start3A_1169 : memref<1x!tpu.dma_semaphore, #tpu.memory_space<semaphore_mem>> -> memref<!tpu.dma_semaphore, #tpu.memory_space<semaphore_mem>>
        %dma_start3A_1171 = arith.constant 8 : i32
        %dma_start3A_1172 = arith.constant 0 : i32
        %dma_start3A_1173 = tpu.memref_slice %arg10[%rem3A_1102, %dma_start3A_1171, %dma_start3A_1172] : memref<8x32x128xf32, #tpu.memory_space<vmem>> -> memref<1x8x128xf32, #tpu.memory_space<vmem>>
        %dma_start3A_1174 = tpu.memref_squeeze %dma_start3A_1173 : memref<1x8x128xf32, #tpu.memory_space<vmem>> -> memref<8x128xf32, #tpu.memory_space<vmem>>
        %dma_start3A_1175 = arith.constant 8 : i32
        %dma_start3A_1176 = tpu.memref_slice %arg5[%dma_start3A_1175, %multiple_of3A_1120] : memref<32x1000000xf32, #tpu.memory_space<hbm>> -> memref<8x128xf32, #tpu.memory_space<hbm>>
        tpu.enqueue_dma source(%dma_start3A_1176 : memref<8x128xf32, #tpu.memory_space<hbm>>) target(%dma_start3A_1174 : memref<8x128xf32, #tpu.memory_space<vmem>>) target_semaphore(%dma_start3A_1170 : memref<!tpu.dma_semaphore, #tpu.memory_space<semaphore_mem>>)
        %dma_start3A_1177 = arith.constant 16 : i32
        %dma_start3A_1178 = arith.constant 0 : i32
        %dma_start3A_1179 = tpu.memref_slice %arg9[%rem3A_1102, %dma_start3A_1177, %dma_start3A_1178] : memref<8x32x128xf32, #tpu.memory_space<vmem>> -> memref<1x8x128xf32, #tpu.memory_space<vmem>>
        %dma_start3A_1180 = tpu.memref_squeeze %dma_start3A_1179 : memref<1x8x128xf32, #tpu.memory_space<vmem>> -> memref<8x128xf32, #tpu.memory_space<vmem>>
        %dma_start3A_1181 = arith.constant 16 : i32
        %dma_start3A_1182 = tpu.memref_slice %arg4[%dma_start3A_1181, %multiple_of3A_1111] : memref<32x1000000xf32, #tpu.memory_space<hbm>> -> memref<8x128xf32, #tpu.memory_space<hbm>>
        %dma_start3A_1183 = tpu.memref_slice %arg12[%rem3A_1102] : memref<8x!tpu.dma_semaphore, #tpu.memory_space<semaphore_mem>> -> memref<1x!tpu.dma_semaphore, #tpu.memory_space<semaphore_mem>>
        %dma_start3A_1184 = tpu.memref_squeeze %dma_start3A_1183 : memref<1x!tpu.dma_semaphore, #tpu.memory_space<semaphore_mem>> -> memref<!tpu.dma_semaphore, #tpu.memory_space<semaphore_mem>>
        %dma_start3A_1185 = arith.constant 16 : i32
        %dma_start3A_1186 = arith.constant 0 : i32
        %dma_start3A_1187 = tpu.memref_slice %arg9[%rem3A_1102, %dma_start3A_1185, %dma_start3A_1186] : memref<8x32x128xf32, #tpu.memory_space<vmem>> -> memref<1x8x128xf32, #tpu.memory_space<vmem>>
        %dma_start3A_1188 = tpu.memref_squeeze %dma_start3A_1187 : memref<1x8x128xf32, #tpu.memory_space<vmem>> -> memref<8x128xf32, #tpu.memory_space<vmem>>
        %dma_start3A_1189 = arith.constant 16 : i32
        %dma_start3A_1190 = tpu.memref_slice %arg4[%dma_start3A_1189, %multiple_of3A_1111] : memref<32x1000000xf32, #tpu.memory_space<hbm>> -> memref<8x128xf32, #tpu.memory_space<hbm>>
        tpu.enqueue_dma source(%dma_start3A_1190 : memref<8x128xf32, #tpu.memory_space<hbm>>) target(%dma_start3A_1188 : memref<8x128xf32, #tpu.memory_space<vmem>>) target_semaphore(%dma_start3A_1184 : memref<!tpu.dma_semaphore, #tpu.memory_space<semaphore_mem>>)
        %dma_start3A_1191 = arith.constant 16 : i32
        %dma_start3A_1192 = arith.constant 0 : i32
        %dma_start3A_1193 = tpu.memref_slice %arg10[%rem3A_1102, %dma_start3A_1191, %dma_start3A_1192] : memref<8x32x128xf32, #tpu.memory_space<vmem>> -> memref<1x8x128xf32, #tpu.memory_space<vmem>>
        %dma_start3A_1194 = tpu.memref_squeeze %dma_start3A_1193 : memref<1x8x128xf32, #tpu.memory_space<vmem>> -> memref<8x128xf32, #tpu.memory_space<vmem>>
        %dma_start3A_1195 = arith.constant 16 : i32
        %dma_start3A_1196 = tpu.memref_slice %arg5[%dma_start3A_1195, %multiple_of3A_1120] : memref<32x1000000xf32, #tpu.memory_space<hbm>> -> memref<8x128xf32, #tpu.memory_space<hbm>>
        %dma_start3A_1197 = tpu.memref_slice %arg13[%rem3A_1102] : memref<8x!tpu.dma_semaphore, #tpu.memory_space<semaphore_mem>> -> memref<1x!tpu.dma_semaphore, #tpu.memory_space<semaphore_mem>>
        %dma_start3A_1198 = tpu.memref_squeeze %dma_start3A_1197 : memref<1x!tpu.dma_semaphore, #tpu.memory_space<semaphore_mem>> -> memref<!tpu.dma_semaphore, #tpu.memory_space<semaphore_mem>>
        %dma_start3A_1199 = arith.constant 16 : i32
        %dma_start3A_1200 = arith.constant 0 : i32
        %dma_start3A_1201 = tpu.memref_slice %arg10[%rem3A_1102, %dma_start3A_1199, %dma_start3A_1200] : memref<8x32x128xf32, #tpu.memory_space<vmem>> -> memref<1x8x128xf32, #tpu.memory_space<vmem>>
        %dma_start3A_1202 = tpu.memref_squeeze %dma_start3A_1201 : memref<1x8x128xf32, #tpu.memory_space<vmem>> -> memref<8x128xf32, #tpu.memory_space<vmem>>
        %dma_start3A_1203 = arith.constant 16 : i32
        %dma_start3A_1204 = tpu.memref_slice %arg5[%dma_start3A_1203, %multiple_of3A_1120] : memref<32x1000000xf32, #tpu.memory_space<hbm>> -> memref<8x128xf32, #tpu.memory_space<hbm>>
        tpu.enqueue_dma source(%dma_start3A_1204 : memref<8x128xf32, #tpu.memory_space<hbm>>) target(%dma_start3A_1202 : memref<8x128xf32, #tpu.memory_space<vmem>>) target_semaphore(%dma_start3A_1198 : memref<!tpu.dma_semaphore, #tpu.memory_space<semaphore_mem>>)
        %dma_start3A_1205 = arith.constant 24 : i32
        %dma_start3A_1206 = arith.constant 0 : i32
        %dma_start3A_1207 = tpu.memref_slice %arg9[%rem3A_1102, %dma_start3A_1205, %dma_start3A_1206] : memref<8x32x128xf32, #tpu.memory_space<vmem>> -> memref<1x8x128xf32, #tpu.memory_space<vmem>>
        %dma_start3A_1208 = tpu.memref_squeeze %dma_start3A_1207 : memref<1x8x128xf32, #tpu.memory_space<vmem>> -> memref<8x128xf32, #tpu.memory_space<vmem>>
        %dma_start3A_1209 = arith.constant 24 : i32
        %dma_start3A_1210 = tpu.memref_slice %arg4[%dma_start3A_1209, %multiple_of3A_1111] : memref<32x1000000xf32, #tpu.memory_space<hbm>> -> memref<8x128xf32, #tpu.memory_space<hbm>>
        %dma_start3A_1211 = tpu.memref_slice %arg12[%rem3A_1102] : memref<8x!tpu.dma_semaphore, #tpu.memory_space<semaphore_mem>> -> memref<1x!tpu.dma_semaphore, #tpu.memory_space<semaphore_mem>>
        %dma_start3A_1212 = tpu.memref_squeeze %dma_start3A_1211 : memref<1x!tpu.dma_semaphore, #tpu.memory_space<semaphore_mem>> -> memref<!tpu.dma_semaphore, #tpu.memory_space<semaphore_mem>>
        %dma_start3A_1213 = arith.constant 24 : i32
        %dma_start3A_1214 = arith.constant 0 : i32
        %dma_start3A_1215 = tpu.memref_slice %arg9[%rem3A_1102, %dma_start3A_1213, %dma_start3A_1214] : memref<8x32x128xf32, #tpu.memory_space<vmem>> -> memref<1x8x128xf32, #tpu.memory_space<vmem>>
        %dma_start3A_1216 = tpu.memref_squeeze %dma_start3A_1215 : memref<1x8x128xf32, #tpu.memory_space<vmem>> -> memref<8x128xf32, #tpu.memory_space<vmem>>
        %dma_start3A_1217 = arith.constant 24 : i32
        %dma_start3A_1218 = tpu.memref_slice %arg4[%dma_start3A_1217, %multiple_of3A_1111] : memref<32x1000000xf32, #tpu.memory_space<hbm>> -> memref<8x128xf32, #tpu.memory_space<hbm>>
        tpu.enqueue_dma source(%dma_start3A_1218 : memref<8x128xf32, #tpu.memory_space<hbm>>) target(%dma_start3A_1216 : memref<8x128xf32, #tpu.memory_space<vmem>>) target_semaphore(%dma_start3A_1212 : memref<!tpu.dma_semaphore, #tpu.memory_space<semaphore_mem>>)
        %dma_start3A_1219 = arith.constant 24 : i32
        %dma_start3A_1220 = arith.constant 0 : i32
        %dma_start3A_1221 = tpu.memref_slice %arg10[%rem3A_1102, %dma_start3A_1219, %dma_start3A_1220] : memref<8x32x128xf32, #tpu.memory_space<vmem>> -> memref<1x8x128xf32, #tpu.memory_space<vmem>>
        %dma_start3A_1222 = tpu.memref_squeeze %dma_start3A_1221 : memref<1x8x128xf32, #tpu.memory_space<vmem>> -> memref<8x128xf32, #tpu.memory_space<vmem>>
        %dma_start3A_1223 = arith.constant 24 : i32
        %dma_start3A_1224 = tpu.memref_slice %arg5[%dma_start3A_1223, %multiple_of3A_1120] : memref<32x1000000xf32, #tpu.memory_space<hbm>> -> memref<8x128xf32, #tpu.memory_space<hbm>>
        %dma_start3A_1225 = tpu.memref_slice %arg13[%rem3A_1102] : memref<8x!tpu.dma_semaphore, #tpu.memory_space<semaphore_mem>> -> memref<1x!tpu.dma_semaphore, #tpu.memory_space<semaphore_mem>>
        %dma_start3A_1226 = tpu.memref_squeeze %dma_start3A_1225 : memref<1x!tpu.dma_semaphore, #tpu.memory_space<semaphore_mem>> -> memref<!tpu.dma_semaphore, #tpu.memory_space<semaphore_mem>>
        %dma_start3A_1227 = arith.constant 24 : i32
        %dma_start3A_1228 = arith.constant 0 : i32
        %dma_start3A_1229 = tpu.memref_slice %arg10[%rem3A_1102, %dma_start3A_1227, %dma_start3A_1228] : memref<8x32x128xf32, #tpu.memory_space<vmem>> -> memref<1x8x128xf32, #tpu.memory_space<vmem>>
        %dma_start3A_1230 = tpu.memref_squeeze %dma_start3A_1229 : memref<1x8x128xf32, #tpu.memory_space<vmem>> -> memref<8x128xf32, #tpu.memory_space<vmem>>
        %dma_start3A_1231 = arith.constant 24 : i32
        %dma_start3A_1232 = tpu.memref_slice %arg5[%dma_start3A_1231, %multiple_of3A_1120] : memref<32x1000000xf32, #tpu.memory_space<hbm>> -> memref<8x128xf32, #tpu.memory_space<hbm>>
        tpu.enqueue_dma source(%dma_start3A_1232 : memref<8x128xf32, #tpu.memory_space<hbm>>) target(%dma_start3A_1230 : memref<8x128xf32, #tpu.memory_space<vmem>>) target_semaphore(%dma_start3A_1226 : memref<!tpu.dma_semaphore, #tpu.memory_space<semaphore_mem>>)
      } else {
      }
      %dma_wait3A = arith.constant 0 : i32
      %dma_wait3A_1035 = arith.constant 0 : i32
      %dma_wait3A_1036 = tpu.memref_slice %arg9[%rem3A_1030, %dma_wait3A, %dma_wait3A_1035] : memref<8x32x128xf32, #tpu.memory_space<vmem>> -> memref<1x32x128xf32, #tpu.memory_space<vmem>>
      %dma_wait3A_1037 = tpu.memref_squeeze %dma_wait3A_1036 : memref<1x32x128xf32, #tpu.memory_space<vmem>> -> memref<32x128xf32, #tpu.memory_space<vmem>>
      %dma_wait3A_1038 = arith.constant 0 : i32
      %dma_wait3A_1039 = arith.constant 0 : i32
      %dma_wait3A_1040 = tpu.memref_slice %arg4[%dma_wait3A_1038, %dma_wait3A_1039] : memref<32x1000000xf32, #tpu.memory_space<hbm>> -> memref<32x128xf32, #tpu.memory_space<hbm>>
      %dma_wait3A_1041 = tpu.memref_slice %arg12[%rem3A_1030] : memref<8x!tpu.dma_semaphore, #tpu.memory_space<semaphore_mem>> -> memref<1x!tpu.dma_semaphore, #tpu.memory_space<semaphore_mem>>
      %dma_wait3A_1042 = tpu.memref_squeeze %dma_wait3A_1041 : memref<1x!tpu.dma_semaphore, #tpu.memory_space<semaphore_mem>> -> memref<!tpu.dma_semaphore, #tpu.memory_space<semaphore_mem>>
      %dma_wait3A_1043 = arith.constant 0 : i32
      %dma_wait3A_1044 = arith.constant 0 : i32
      %dma_wait3A_1045 = tpu.memref_slice %arg9[%rem3A_1030, %dma_wait3A_1043, %dma_wait3A_1044] : memref<8x32x128xf32, #tpu.memory_space<vmem>> -> memref<1x32x128xf32, #tpu.memory_space<vmem>>
      %dma_wait3A_1046 = tpu.memref_squeeze %dma_wait3A_1045 : memref<1x32x128xf32, #tpu.memory_space<vmem>> -> memref<32x128xf32, #tpu.memory_space<vmem>>
      %dma_wait3A_1047 = arith.constant 0 : i32
      %dma_wait3A_1048 = arith.constant 0 : i32
      %dma_wait3A_1049 = tpu.memref_slice %arg4[%dma_wait3A_1047, %dma_wait3A_1048] : memref<32x1000000xf32, #tpu.memory_space<hbm>> -> memref<32x128xf32, #tpu.memory_space<hbm>>
      tpu.wait_dma2 semaphore(%dma_wait3A_1042 : memref<!tpu.dma_semaphore, #tpu.memory_space<semaphore_mem>>) src(%dma_wait3A_1049 : memref<32x128xf32, #tpu.memory_space<hbm>>) dst(%dma_wait3A_1046 : memref<32x128xf32, #tpu.memory_space<vmem>>)
      %dma_wait3A_1050 = arith.constant 0 : i32
      %dma_wait3A_1051 = arith.constant 0 : i32
      %dma_wait3A_1052 = tpu.memref_slice %arg10[%rem3A_1030, %dma_wait3A_1050, %dma_wait3A_1051] : memref<8x32x128xf32, #tpu.memory_space<vmem>> -> memref<1x32x128xf32, #tpu.memory_space<vmem>>
      %dma_wait3A_1053 = tpu.memref_squeeze %dma_wait3A_1052 : memref<1x32x128xf32, #tpu.memory_space<vmem>> -> memref<32x128xf32, #tpu.memory_space<vmem>>
      %dma_wait3A_1054 = arith.constant 0 : i32
      %dma_wait3A_1055 = arith.constant 0 : i32
      %dma_wait3A_1056 = tpu.memref_slice %arg5[%dma_wait3A_1054, %dma_wait3A_1055] : memref<32x1000000xf32, #tpu.memory_space<hbm>> -> memref<32x128xf32, #tpu.memory_space<hbm>>
      %dma_wait3A_1057 = tpu.memref_slice %arg13[%rem3A_1030] : memref<8x!tpu.dma_semaphore, #tpu.memory_space<semaphore_mem>> -> memref<1x!tpu.dma_semaphore, #tpu.memory_space<semaphore_mem>>
      %dma_wait3A_1058 = tpu.memref_squeeze %dma_wait3A_1057 : memref<1x!tpu.dma_semaphore, #tpu.memory_space<semaphore_mem>> -> memref<!tpu.dma_semaphore, #tpu.memory_space<semaphore_mem>>
      %dma_wait3A_1059 = arith.constant 0 : i32
      %dma_wait3A_1060 = arith.constant 0 : i32
      %dma_wait3A_1061 = tpu.memref_slice %arg10[%rem3A_1030, %dma_wait3A_1059, %dma_wait3A_1060] : memref<8x32x128xf32, #tpu.memory_space<vmem>> -> memref<1x32x128xf32, #tpu.memory_space<vmem>>
      %dma_wait3A_1062 = tpu.memref_squeeze %dma_wait3A_1061 : memref<1x32x128xf32, #tpu.memory_space<vmem>> -> memref<32x128xf32, #tpu.memory_space<vmem>>
      %dma_wait3A_1063 = arith.constant 0 : i32
      %dma_wait3A_1064 = arith.constant 0 : i32
      %dma_wait3A_1065 = tpu.memref_slice %arg5[%dma_wait3A_1063, %dma_wait3A_1064] : memref<32x1000000xf32, #tpu.memory_space<hbm>> -> memref<32x128xf32, #tpu.memory_space<hbm>>
      tpu.wait_dma2 semaphore(%dma_wait3A_1058 : memref<!tpu.dma_semaphore, #tpu.memory_space<semaphore_mem>>) src(%dma_wait3A_1065 : memref<32x128xf32, #tpu.memory_space<hbm>>) dst(%dma_wait3A_1062 : memref<32x128xf32, #tpu.memory_space<vmem>>)
      %get3A_1066 = arith.index_cast %scan3A_1028 : i32 to index
      %get3A_1067 = tpu.vector_load %arg7[%get3A_1066] {strides = array<i32>} : memref<528xi32, #tpu.memory_space<vmem>>, vector<16xi32>,
      %slice3A_1068 = vector.extract_strided_slice %get3A_1067 {offsets = [0], sizes = [1], strides = [1]} : vector<16xi32> to vector<1xi32>
      %squeeze3A_1069 = vector.extract %slice3A_1068[0] : i32 from vector<1xi32>
      %and3A = arith.constant 127 : i32
      %and3A_1070 = arith.andi %squeeze3A_1069, %and3A : i32
      %broadcast_in_dim3A = vector.broadcast %and3A_1070 : i32 to vector<16xi32>
      %get3A_1071 = arith.index_cast %scan3A_1028 : i32 to index
      %get3A_1072 = tpu.vector_load %arg8[%get3A_1071] {strides = array<i32>} : memref<528xi32, #tpu.memory_space<vmem>>, vector<16xi32>,
      %slice3A_1073 = vector.extract_strided_slice %get3A_1072 {offsets = [0], sizes = [1], strides = [1]} : vector<16xi32> to vector<1xi32>
      %squeeze3A_1074 = vector.extract %slice3A_1073[0] : i32 from vector<1xi32>
      %and3A_1075 = arith.constant 127 : i32
      %and3A_1076 = arith.andi %squeeze3A_1074, %and3A_1075 : i32
      %broadcast_in_dim3A_1077 = vector.broadcast %and3A_1076 : i32 to vector<16xi32>
      %broadcast_in_dim3A_1078 = vector.broadcast %scan3A_1028 : i32 to vector<16xi32>
      %gather3A = arith.constant 0 : i32
      %gather3A_1079 = arith.constant 0 : i32
      %gather3A_1080 = tpu.memref_slice %arg9[%rem3A_1030, %gather3A, %gather3A_1079] : memref<8x32x128xf32, #tpu.memory_space<vmem>> -> memref<1x32x128xf32, #tpu.memory_space<vmem>>
      %gather3A_1081 = tpu.memref_squeeze %gather3A_1080 : memref<1x32x128xf32, #tpu.memory_space<vmem>> -> memref<32x128xf32, #tpu.memory_space<vmem>>
      %gather3A_1082 = tpu.vector_load_idx %gather3A_1081[%iota3A, %broadcast_in_dim3A] : memref<32x128xf32, #tpu.memory_space<vmem>>[vector<16xi32>, vector<16xi32>], vector<16xf32>,
      %gather3A_1083 = arith.constant 0 : i32
      %gather3A_1084 = arith.constant 0 : i32
      %gather3A_1085 = tpu.memref_slice %arg9[%rem3A_1030, %gather3A_1083, %gather3A_1084] : memref<8x32x128xf32, #tpu.memory_space<vmem>> -> memref<1x32x128xf32, #tpu.memory_space<vmem>>
      %gather3A_1086 = tpu.memref_squeeze %gather3A_1085 : memref<1x32x128xf32, #tpu.memory_space<vmem>> -> memref<32x128xf32, #tpu.memory_space<vmem>>
      %gather3A_1087 = tpu.vector_load_idx %gather3A_1086[%add3A_1021, %broadcast_in_dim3A] : memref<32x128xf32, #tpu.memory_space<vmem>>[vector<16xi32>, vector<16xi32>], vector<16xf32>,
      %gather3A_1088 = arith.constant 0 : i32
      %gather3A_1089 = arith.constant 0 : i32
      %gather3A_1090 = tpu.memref_slice %arg10[%rem3A_1030, %gather3A_1088, %gather3A_1089] : memref<8x32x128xf32, #tpu.memory_space<vmem>> -> memref<1x32x128xf32, #tpu.memory_space<vmem>>
      %gather3A_1091 = tpu.memref_squeeze %gather3A_1090 : memref<1x32x128xf32, #tpu.memory_space<vmem>> -> memref<32x128xf32, #tpu.memory_space<vmem>>
      %gather3A_1092 = tpu.vector_load_idx %gather3A_1091[%iota3A, %broadcast_in_dim3A_1077] : memref<32x128xf32, #tpu.memory_space<vmem>>[vector<16xi32>, vector<16xi32>], vector<16xf32>,
      %gather3A_1093 = arith.constant 0 : i32
      %gather3A_1094 = arith.constant 0 : i32
      %gather3A_1095 = tpu.memref_slice %arg10[%rem3A_1030, %gather3A_1093, %gather3A_1094] : memref<8x32x128xf32, #tpu.memory_space<vmem>> -> memref<1x32x128xf32, #tpu.memory_space<vmem>>
      %gather3A_1096 = tpu.memref_squeeze %gather3A_1095 : memref<1x32x128xf32, #tpu.memory_space<vmem>> -> memref<32x128xf32, #tpu.memory_space<vmem>>
      %gather3A_1097 = tpu.vector_load_idx %gather3A_1096[%add3A_1021, %broadcast_in_dim3A_1077] : memref<32x128xf32, #tpu.memory_space<vmem>>[vector<16xi32>, vector<16xi32>], vector<16xf32>,
      %mul3A_1098 = arith.mulf %gather3A_1082, %gather3A_1092 : vector<16xf32>
      tpu.vector_store_idx %arg11[%iota3A, %broadcast_in_dim3A_1078], %mul3A_1098 : memref<32x512xf32, #tpu.memory_space<vmem>>[vector<16xi32>, vector<16xi32>], vector<16xf32>,
      %mul3A_1099 = arith.mulf %gather3A_1087, %gather3A_1097 : vector<16xf32>
      tpu.vector_store_idx %arg11[%add3A_1021, %broadcast_in_dim3A_1078], %mul3A_1099 : memref<32x512xf32, #tpu.memory_space<vmem>>[vector<16xi32>, vector<16xi32>], vector<16xf32>,
      %scan3A_1100 = arith.constant 0 : i32
      scf.yield %scan3A_1100 : i32
    }
    %scan3A_1027 = arith.constant 512 : i32
    "tpu.region"() ({
      %run_scoped3A = tpu.sem_alloc : memref<!tpu.dma_semaphore, #tpu.memory_space<semaphore_mem>>
      %dma_start3A_1028 = arith.constant 0 : i32
      %dma_start3A_1029 = tpu.memref_slice %arg6[%dma_start3A_1028, %mul3A_2] : memref<32x16384xf32, #tpu.memory_space<hbm>> -> memref<32x512xf32, #tpu.memory_space<hbm>>
      %dma_start3A_1030 = arith.constant 0 : i32
      %dma_start3A_1031 = tpu.memref_slice %arg6[%dma_start3A_1030, %mul3A_2] : memref<32x16384xf32, #tpu.memory_space<hbm>> -> memref<32x512xf32, #tpu.memory_space<hbm>>
      tpu.enqueue_dma source(%arg11 : memref<32x512xf32, #tpu.memory_space<vmem>>) target(%dma_start3A_1031 : memref<32x512xf32, #tpu.memory_space<hbm>>) target_semaphore(%run_scoped3A : memref<!tpu.dma_semaphore, #tpu.memory_space<semaphore_mem>>)
      %dma_wait3A = arith.constant 0 : i32
      %dma_wait3A_1032 = tpu.memref_slice %arg6[%dma_wait3A, %mul3A_2] : memref<32x16384xf32, #tpu.memory_space<hbm>> -> memref<32x512xf32, #tpu.memory_space<hbm>>
      %dma_wait3A_1033 = arith.constant 0 : i32
      %dma_wait3A_1034 = tpu.memref_slice %arg6[%dma_wait3A_1033, %mul3A_2] : memref<32x16384xf32, #tpu.memory_space<hbm>> -> memref<32x512xf32, #tpu.memory_space<hbm>>
      tpu.wait_dma2 semaphore(%run_scoped3A : memref<!tpu.dma_semaphore, #tpu.memory_space<semaphore_mem>>) src(%arg11 : memref<32x512xf32, #tpu.memory_space<vmem>>) dst(%dma_wait3A_1034 : memref<32x512xf32, #tpu.memory_space<hbm>>)
      tpu.yield
    }) : () -> ()
    return
  }
}

module attributes {stable_mosaic.version = 14 : i64} {
  func.func @_mlp_body(%arg0: i32, %arg1: memref<32x2048xf32, #tpu.memory_space<vmem>>, %arg2: memref<32x32xf32, #tpu.memory_space<vmem>>, %arg3: memref<32x1xf32, #tpu.memory_space<vmem>>, %arg4: memref<32x2048xf32, #tpu.memory_space<vmem>>) attributes {dimension_semantics = [#tpu.dimension_semantics<arbitrary>], iteration_bounds = array<i64: 8>, scalar_prefetch = 0 : i64, scratch_operands = 0 : i64, tpu.core_type = #tpu.core_type<tc>, window_params = [{transform_indices = @transform_0, window_bounds = array<i64: 32, 2048>}, {pipeline_mode = #tpu.pipeline_mode<synchronous>, transform_indices = @transform_1, window_bounds = array<i64: 32, 32>}, {pipeline_mode = #tpu.pipeline_mode<synchronous>, transform_indices = @transform_2, window_bounds = array<i64: 32, 1>}, {transform_indices = @transform_3, window_bounds = array<i64: 32, 2048>}]} {
    %get3A = arith.constant 0 : index
    %get3A_0 = arith.constant 0 : index
    %get3A_1 = vector.load %arg2[%get3A, %get3A_0] : memref<32x32xf32, #tpu.memory_space<vmem>>, vector<32x32xf32>
    %get3A_2 = arith.constant 0 : index
    %get3A_3 = arith.constant 0 : index
    %get3A_4 = vector.load %arg1[%get3A_2, %get3A_3] : memref<32x2048xf32, #tpu.memory_space<vmem>>, vector<32x2048xf32>
    %dot_general3A = arith.constant dense<0.000000e+00> : vector<32x2048xf32>
    %dot_general3A_5 = tpu.matmul %get3A_1, %get3A_4, %dot_general3A {dimension_numbers = #tpu.dot_dimension_numbers<[1], [0], [0], [1], [0, 0, 1, 1], [], []>, transpose_lhs_hint = false} : vector<32x32xf32>, vector<32x2048xf32>, vector<32x2048xf32> -> vector<32x2048xf32>
    %get3A_6 = arith.constant 0 : index
    %get3A_7 = arith.constant 0 : index
    %get3A_8 = vector.load %arg3[%get3A_6, %get3A_7] : memref<32x1xf32, #tpu.memory_space<vmem>>, vector<32x1xf32>
    %add3A = vector.broadcast %get3A_8 : vector<32x1xf32> to vector<32x2048xf32>
    %add3A_9 = arith.addf %dot_general3A_5, %add3A : vector<32x2048xf32>
    %logistic3A = arith.negf %add3A_9 : vector<32x2048xf32>
    %logistic3A_10 = math.exp %logistic3A : vector<32x2048xf32>
    %logistic3A_11 = arith.constant 1.000000e+00 : f32
    %logistic3A_12 = vector.broadcast %logistic3A_11 : f32 to vector<32x2048xf32>
    %logistic3A_13 = arith.addf %logistic3A_12, %logistic3A_10 : vector<32x2048xf32>
    %logistic3A_14 = arith.divf %logistic3A_12, %logistic3A_13 : vector<32x2048xf32>
    %swap3A = arith.constant 0 : index
    %swap3A_15 = arith.constant 0 : index
    %swap3A_16 = vector.load %arg4[%swap3A, %swap3A_15] : memref<32x2048xf32, #tpu.memory_space<vmem>>, vector<32x2048xf32>
    tpu.vector_store %arg4[%swap3A, %swap3A_15], %logistic3A_14 {strides = array<i32>} : memref<32x2048xf32, #tpu.memory_space<vmem>>, vector<32x2048xf32>,
    return
  }
  func.func @transform_0(%arg0: i32) -> (i32, i32) {
    %c0_i32 = arith.constant 0 : i32
    %c0_i32_0 = arith.constant 0 : i32
    return %c0_i32, %arg0 : i32, i32
  }
  func.func @transform_1(%arg0: i32) -> (i32, i32) {
    %c0_i32 = arith.constant 0 : i32
    %c0_i32_0 = arith.constant 0 : i32
    %c0_i32_1 = arith.constant 0 : i32
    return %c0_i32, %c0_i32_0 : i32, i32
  }
  func.func @transform_2(%arg0: i32) -> (i32, i32) {
    %c0_i32 = arith.constant 0 : i32
    %c0_i32_0 = arith.constant 0 : i32
    %c0_i32_1 = arith.constant 0 : i32
    return %c0_i32, %c0_i32_0 : i32, i32
  }
  func.func @transform_3(%arg0: i32) -> (i32, i32) {
    %c0_i32 = arith.constant 0 : i32
    %c0_i32_0 = arith.constant 0 : i32
    return %c0_i32, %arg0 : i32, i32
  }
}

</mosaic_0001>

<sc_bundles>
// kernel: kernel.4.cloned.1.call-start
scs
__scs_entry_jumppad:
0x0: {  	(pc) =	sbr.rel $0x88, $3  }
0x1: {  	(tag) =	ssettag $0x0;
	lr =	simm.s32 $0x1  }
0x2: {  	[smem:$0x3F9B] =	sst lr;
	_ =	strace $0xD0000000  }
0x3: {  	_ = 	snop  }
0x4: {  	_ = 	snop  }
0x5: {  	_ = 	snop  }
0x6: {  	_ = 	snop  }
0x7: {  	_ = 	snop  }
__scs_overlays_trampoline_lowered:
0x8: {  	[smem:$0x3FAA] =	sst s0  }
0x9: {  	[smem:$0x3FAB] =	sst s1  }
0xa: {  	[smem:$0x3FAC] =	sst s2  }
0xb: {  	[smem:$0x3FAD] =	sst s3  }
0xc: {  	[smem:$0x3FAE] =	sst s4  }
0xd: {  	[smem:$0x3FAF] =	sst s5  }
0xe: {  	[smem:$0x3FB0] =	sst s6  }
0xf: {  	[smem:$0x3FB1] =	sst s7  }
0x10: {  	[smem:$0x3FB2] =	sst s8  }
0x11: {  	[smem:$0x3FB3] =	sst s9;
	s0 =	simm.s32 @!p0 $0x0  }
0x12: {  	s1 =	sld [smem:$0x3F99];
	s0 =	simm.s32 @p0 $0x1  }
0x13: {  	[smem:$0x3FB4] =	sst s0;
	s0 =	simm.s32 @!p1 $0x0  }
0x14: {  	s2 =	sld [smem:$0x3F98];
	s0 =	simm.s32 @p1 $0x1  }
0x15: {  	[smem:$0x3FB5] =	sst s0;
	s0 =	simm.s32 @!p2 $0x0  }
0x16: {  	s3 =	sld [smem:$0x3FDB];
	s0 =	simm.s32 @p2 $0x1  }
0x17: {  	s4 =	simm.s32 $0x1BF5;
	[smem:$0x3FB7] =	sst s0  }
0x18: {  	s0 =	sld [smem:$0x3F9A];
	_ =	swait.ge [sflag:s4], $0x0  }
0x19: {  	s7 =	sld [smem:$0x3F9B]  }
0x1a: {  	s8 =	sadd.s32 $0xFFFFE003, lr  }
0x1b: {  	s9 =	sadd.s32 $0xFFFFFEF7, lr;
	s5 =	simm.s32 $0xFFFFFFFF;
	p2 =	slt.u32 s8, $0xFFFFF086  }
0x1c: {  	p1 =	slt.u32 s9, $0xF7A;
	s5 =	simm.s32 @!p2 $0x0  }
0x1d: {  	s5 =	simm.s32 @p1 $0x1;
	p0 =	seq.s32 s7, s2  }
0x1e: {  	s7 =	smul.u32 @!p0 $0xF7A, s2;
	p2 =	seq.s32 @!p0 s5, $0x0  }
0x1f: {  	s9 =	smul.u32 $0xF7A, s1;
	s8 =	simm.s32 @!p0 $0x1BF5;
	p2 =	por !p2, p0  }
0x20: {  	[sflag:s8] =	ssyncset.s32 @!p0 $0xFFFFF086;
	s6 =	sadd.s32 @!p0 s3, s7;
	s7 =	simm.s32 @!p0 $0x108  }
0x21: {  	s3 =	sadd.s32 s3, s9;
	s6 =	sadd.s32 @!p0 $0x88, s6;
	s7 =	simm.s32 @p2 $0x1082  }
0x22: {  	[simem:s7], [sflag:s8] =	dma.local @!p0 [hbm:s6], $0xF7A  }
0x23: {  	s9 =	sor.u32 $0xD0000000, s2;
	s6 =	simm.s32 $0x108;
	_ =	swait.ge @!p0 [sflag:s8], $0x0  }
0x24: {  	s3 =	sadd.s32 $0x88, s3;
	s6 =	simm.s32 @!p1 $0x1082;
	[sflag:s4] =	ssyncset.s32 $0xFFFFF086  }
0x25: {  	[simem:s6], [sflag:s4] =	dma.local [hbm:s3], $0xF7A  }
0x26: {  	[smem:$0x3F9B] =	sst s1;
	(tag) =	ssettag s2;
	_ =	strace s9  }
0x27: {  	s1 =	sld [smem:$0x3FAB]  }
0x28: {  	s2 =	sld [smem:$0x3FAC]  }
0x29: {  	s4 =	sld [smem:$0x3FAE]  }
0x2a: {  	p0 =	seq.s32 s5, $0x0;
	s5 =	sld [smem:$0x3FAF]  }
0x2b: {  	s6 =	sld [smem:$0x3FB0]  }
0x2c: {  	s7 =	sld [smem:$0x3FB1]  }
0x2d: {  	s3 =	simm.s32 $0x108;
	s8 =	sld [smem:$0x3FB2]  }
0x2e: {  	s3 =	simm.s32 @!p0 $0x1082;
	s9 =	sld [smem:$0x3FB3]  }
0x2f: {  	lr =	sadd.s32 s0, s3;
	s0 =	sld [smem:$0x3FAA]  }
0x30: {  	s3 =	sld [smem:$0x3FAD]  }
0x31: {  	[smem:$0x3FB6] =	sst s10  }
0x32: {  	s10 =	sld [smem:$0x3FB4];
	_ =	sdelay $0x3  }
0x33: {  	p0 =	seq.s32 s10, $0x1;
	s10 =	sld [smem:$0x3FB6];
	_ =	sdelay $0x3  }
0x34: {  	[smem:$0x3FB6] =	sst s10  }
0x35: {  	s10 =	sld [smem:$0x3FB5];
	_ =	sdelay $0x3  }
0x36: {  	p1 =	seq.s32 s10, $0x1;
	s10 =	sld [smem:$0x3FB6];
	_ =	sdelay $0x3  }
0x37: {  	[smem:$0x3FB6] =	sst s10  }
0x38: {  	s10 =	sld [smem:$0x3FB7]  }
0x39: {  	_ = 	snop;
	(pc) =	sbr.ind lr, $3  }
0x3a: {  	_ = 	snop  }
0x3b: {  	_ = 	snop  }
0x3c: {  	p2 =	seq.s32 s10, $0x1;
	s10 =	sld [smem:$0x3FB6]  }
0x3d: {  	_ =	shalt  }
0x3e: {  	_ =	shalt  }
0x3f: {  	_ =	shalt  }
0x40: {  	_ =	shalt  }
0x41: {  	_ =	shalt  }
0x42: {  	_ =	shalt  }
0x43: {  	_ =	shalt  }
0x44: {  	_ =	shalt  }
0x45: {  	_ =	shalt  }
0x46: {  	_ =	shalt  }
0x47: {  	_ =	shalt  }
0x48: {  	_ =	shalt  }
0x49: {  	_ =	shalt  }
0x4a: {  	_ =	shalt  }
0x4b: {  	_ =	shalt  }
0x4c: {  	_ =	shalt  }
0x4d: {  	_ =	shalt  }
0x4e: {  	_ =	shalt  }
0x4f: {  	_ =	shalt  }
0x50: {  	_ =	shalt  }
0x51: {  	_ =	shalt  }
0x52: {  	_ =	shalt  }
0x53: {  	_ =	shalt  }
0x54: {  	_ =	shalt  }
0x55: {  	_ =	shalt  }
0x56: {  	_ =	shalt  }
0x57: {  	_ =	shalt  }
0x58: {  	_ =	shalt  }
0x59: {  	_ =	shalt  }
0x5a: {  	_ =	shalt  }
0x5b: {  	_ =	shalt  }
0x5c: {  	_ =	shalt  }
0x5d: {  	_ =	shalt  }
0x5e: {  	_ =	shalt  }
0x5f: {  	_ =	shalt  }
0x60: {  	_ =	shalt  }
0x61: {  	_ =	shalt  }
0x62: {  	_ =	shalt  }
0x63: {  	_ =	shalt  }
0x64: {  	_ =	shalt  }
0x65: {  	_ =	shalt  }
0x66: {  	_ =	shalt  }
0x67: {  	_ =	shalt  }
0x68: {  	_ =	shalt  }
0x69: {  	_ =	shalt  }
0x6a: {  	_ =	shalt  }
0x6b: {  	_ =	shalt  }
0x6c: {  	_ =	shalt  }
0x6d: {  	_ =	shalt  }
0x6e: {  	_ =	shalt  }
0x6f: {  	_ =	shalt  }
0x70: {  	_ =	shalt  }
0x71: {  	_ =	shalt  }
0x72: {  	_ =	shalt  }
0x73: {  	_ =	shalt  }
0x74: {  	_ =	shalt  }
0x75: {  	_ =	shalt  }
0x76: {  	_ =	shalt  }
0x77: {  	_ =	shalt  }
0x78: {  	_ =	shalt  }
0x79: {  	_ =	shalt  }
0x7a: {  	_ =	shalt  }
0x7b: {  	_ =	shalt  }
0x7c: {  	_ =	shalt  }
0x7d: {  	_ =	shalt  }
0x7e: {  	_ =	shalt  }
0x7f: {  	_ =	shalt  }
0x80: {  	_ =	shalt  }
0x81: {  	_ =	shalt  }
0x82: {  	_ =	shalt  }
0x83: {  	_ =	shalt  }
0x84: {  	_ =	shalt  }
0x85: {  	_ =	shalt  }
0x86: {  	_ =	shalt  }
0x87: {  	_ =	shalt  }
.Lfunc_end0:
.L_simem_size_0:
called_computation_lowered:
.L_overlay_start_0:
0x88: {  	s2 =	sld [smem:$0x3FD9]  }
0x89: {  	s3 =	sld [smem:$0x3FFE];
	_ =	sdelay $0x1  }
0x8a: {  	s1 =	srdreg.scid  }
0x8b: {  	s0 =	sand.u32 $0x1, s1  }
0x8c: {  	s18 =	sshll.u32 s0, $0xA;
	s2 =	sadd.s32 s3, s2  }
0x8d: {  	s2 =	sadd.s32 s2, s18  }
0x8e: {  	[smem:$0x3FC2] =	sst s2  }
0x8f: {  	_ = 	snop  }
0x90: {  	s2 =	sld [smem:$0x3FC9]  }
0x91: {  	s19 =	sld [smem:$0x3FC8]  }
0x92: {  	s4 =	sld [smem:$0x3FC7]  }
0x93: {  	s5 =	sld [smem:$0x3FC6]  }
0x94: {  	s6 =	sld [smem:$0x3FD0];
	(tm) =	ssettm $0x1  }
0x95: {  	s7 =	sld [smem:$0x3FFB];
	_ =	sdelay $0x3  }
0x96: {  	_ =	strace s7  }
0x97: {  	s7 =	sld [smem:$0x3FFC];
	_ =	sdelay $0x3  }
0x98: {  	_ =	strace s7  }
0x99: {  	s7 =	sld [smem:$0x3FFD];
	_ =	sdelay $0x3  }
0x9a: {  	_ =	strace s7  }
0x9b: {  	_ =	strace $0x8FFFFFFF  }
0x9c: {  	s20 =	sld [smem:$0x3FDB];
	_ =	sdelay $0x1  }
0x9d: {  	s8 =	simm.s32 $_scs_section_size  }
0x9e: {  	s9 =	simm.s32 $_size__tile_overlayer_lowered;
	s10 =	simm.s32 $_tile_overlayer_lowered  }
0x9f: {  	s23 =	simm.s32 $0x1BFF;
	s22 =	sshll.u32 s10, $0x1;
	s7 =	sadd.s32 s8, s20  }
0xa0: {  	s11 =	simm.s32 $0x0;
	s21 =	sshll.u32 s9, $0x1;
	s9 =	sadd.s32 s22, s7  }
0xa1: {  	[timem:s11], [sflag:s23] =	dma.local [hbm:s9], s21  }
0xa2: {  	_ =	swait.ge [sflag:s23], s21  }
0xa3: {  	s8 =	ssub.s32 $0x0, s21;
	[sflag:s23] =	ssyncset.done $0x0  }
0xa4: {  	[sflag:s23] =	ssyncadd.s32 s8;
	_ =	sdelay $0x1  }
0xa5: {  	s24 =	simm.s32 $0x1B8B  }
0xa6: {  	_ =	swait.ge [sflag:s24], $0x1  }
0xa7: {  	[sflag:s24] =	ssyncset.done $0x0  }
0xa8: {  	s25 =	simm.s32 $0x1B8E;
	[sflag:s24] =	ssyncadd.s32 $0xFFFFFFFF  }
0xa9: {  	s26 =	simm.s32 $execute0_lowered;
	[smem:$0x3FD2] =	sst s25  }
0xaa: {  	s8 =	sshll.u32 s26, $0x1;
	_ =	strace $0x80000046;
	[dreg:$0x1] =	wrdreg $0xFFFFFFFF  }
0xab: {  	s28 =	simm.s32 $_size_execute0_lowered;
	s7 =	sadd.s32 s7, s8;
	[dreg:$0x0] =	wrdreg $0x0  }
0xac: {  	s8 =	sshll.u32 s28, $0x1;
	[dreg:$0x2] =	wrdreg s7  }
0xad: {  	[dreg:$0x3] =	wrdreg s8  }
0xae: {  	[dreg:$0x4] =	wrdreg $0xC0  }
0xaf: {  	_ =	task [dreg:s11], $0x5FFFF  }
0xb0: {  	[dreg:$0x1] =	wrdreg $0xFFFFFFFF  }
0xb1: {  	[dreg:$0x0] =	wrdreg $0x60  }
0xb2: {  	[dreg:$0x2] =	wrdreg s2  }
0xb3: {  	[dreg:$0x3] =	wrdreg s19  }
0xb4: {  	[dreg:$0x4] =	wrdreg s4  }
0xb5: {  	[dreg:$0x5] =	wrdreg s5  }
0xb6: {  	[dreg:$0x6] =	wrdreg s6  }
0xb7: {  	[dreg:$0x7] =	wrdreg $0x9  }
0xb8: {  	_ =	task.clear_ibuf [dreg:s11], $0x8FFFF;
	_ =	strace $0x90000046  }
0xb9: {  	s29 =	simm.s32 $0x9;
	_ =	strace $0x80000048  }
0xba: {  	_ =	swait.ge [sflag:s29], $0x1  }
0xbb: {  	[sflag:s29] =	ssyncadd.s32 $0xFFFFFFFF  }
0xbc: {  	_ =	strace $0x90000048  }
0xbd: {  	_ =	sfence  }
0xbe: {  	s30 =	sld [smem:$0x0];
	_ =	sdelay $0x2  }
0xbf: {  	s31 =	sshll.u32 s1, $0xD;
	s1 =	sshrl.u32 s1, $0x2  }
0xc0: {  	s3 =	sand.u32 $0x4000, s31;
	s1 =	sadd.s32 s1, s30  }
0xc1: {  	s0 =	sor.u32 s3, s0;
	s1 =	sshll.u32 s1, $0x11  }
0xc2: {  	s0 =	sor.u32 s1, s0  }
0xc3: {  	s0 =	sadd.s32 $0x8F2B, s0  }
0xc4: {  	[sflag:s0] =	ssyncadd.remote.s32 $0x1  }
0xc5: {  	_ =	sfence.sel $0xFFFF  }
0xc6: {  	[dreg:$0x0] =	wrdreg $0xFFFFFFFF;
	(pc) =	sbr.abs _section_cstart, $3  }
0xc7: {  	[dreg:$0x1] =	wrdreg $0xFFFFFFFF  }
0xc8: {  	_ =	task.clear_ibuf [dreg:s11], $0x2FFFF;
	_ =	strace $0x9FFFFFFF  }
0xc9: {  	(tm) =	ssettm $0x7FFFFFFF  }
tec
execute0_lowered:
.L_overlay_start_1:
0x0: {  	(tag) =	ssettag $0x1  }
0x1: {  	v0 =	vlaneseq.u32;
	v1 =	vimm.s32 $0x1380  }
0x2: {  	vm0 =	vcmask $0x300;
	v2 =	vimm.s32 $0x3380;
	vm1 =	vcmask $0x704  }
0x3: {  	vm15 =	vcmask $0xB08;
	v1 =	vsel vm0, $0x0, v1;
	v2 =	vsel vm0, $0x2000, v2  }
0x4: {  	vm4 =	vcmask $0xF0C;
	v1 =	vsel vm1, $0x80, v1;
	v2 =	vsel vm1, $0x2080, v2  }
0x5: {  	vm5 =	vcmask $0x1310;
	v1 =	vsel vm15, $0x100, v1;
	v2 =	vsel vm15, $0x2100, v2  }
0x6: {  	vm6 =	vcmask $0x1714;
	v1 =	vsel vm4, $0x180, v1;
	v2 =	vsel vm4, $0x2180, v2  }
0x7: {  	s0 =	rddreg [dreg:$0x0];
	vm7 =	vcmask $0x1B18;
	v1 =	vsel vm5, $0x200, v1;
	v2 =	vsel vm5, $0x2200, v2  }
0x8: {  	s3 =	rddreg [dreg:$0x1];
	vm8 =	vcmask $0x1F1C;
	v1 =	vsel vm6, $0x280, v1;
	v2 =	vsel vm6, $0x2280, v2  }
0x9: {  	s1 =	rddreg [dreg:$0x2];
	vm9 =	vcmask $0x2320;
	v1 =	vsel vm7, $0x300, v1;
	v2 =	vsel vm7, $0x2300, v2  }
0xa: {  	s2 =	rddreg [dreg:$0x3];
	vm10 =	vcmask $0x2724;
	v1 =	vsel vm8, $0x380, v1;
	v2 =	vsel vm8, $0x2380, v2  }
0xb: {  	s7 =	rddreg [dreg:$0x4];
	s5 =	srdreg.scid;
	s4 =	simm.s32 $0x0;
	vm11 =	vcmask $0x2B28;
	v1 =	vsel vm9, $0x1000, v1;
	v2 =	vsel vm9, $0x3000, v2  }
0xc: {  	s8 =	stileid.u32;
	vm12 =	vcmask $0x2F2C;
	s21 =	simm.s32 $0x10500;
	s5 =	sand.u32 $0x1, s5;
	v1 =	vsel vm10, $0x1080, v1;
	v2 =	vsel vm10, $0x3080, v2  }
0xd: {  	vm13 =	vcmask $0x3330;
	s8 =	sshll.u32 s8, $0xA;
	s6 =	ssub.s32 $0x2, s5;
	s5 =	sshll.u32 s5, $0x9;
	v1 =	vsel vm11, $0x1100, v1;
	v2 =	vsel vm11, $0x3100, v2  }
0xe: {  	vm14 =	vcmask $0x3734;
	s24 =	simm.s32 $0x0;
	[smem:$0x7FF] =	sst s4;
	s8 =	sor.u32 s5, s8;
	v1 =	vsel vm12, $0x1180, v1;
	v2 =	vsel vm12, $0x3180, v2  }
0xf: {  	v0 =	vmul.u32 $0x80, v0;
	_ =	strace $0x80000047;
	s9 =	sshrl.u32 s6, $0x1;
	s31 =	sshrl.u32 s8, $0x3;
	v1 =	vsel vm13, $0x1200, v1;
	v2 =	vsel vm13, $0x3200, v2  }
0x10: {  	vm15 =	vcmask $0x3B38;
	s9 =	ssub.s32 s6, s9;
	s7 =	sadd.s32 s7, s8;
	s5 =	sadd.s32 s0, s31;
	v3 =	vsel vm14, $0x1280, v1;
	v4 =	vsel vm14, $0x3280, v2  }
0x11: {  	s6 =	sadd.s32 s3, s31;
	s8 =	smax.u32 s9, $0x1;
	s9 =	simm.s32 $0x11;
	v1 =	vor.u32 $0x800, v0;
	v2 =	vsel vm15, $0x1300, v3;
	v3 =	vsel vm15, $0x3300, v4  }
.LBB2_1:
0x12: {  	[tilespmem:s4], [sflag:$0x11] =	stream.linear.gather [hbm4b:s5+s4], $0x200, $0x38;
	[tilespmem:$0x14500] =	vst v63  }
0x13: {  	_ =	swait.ge [sflag:s9], $0x200  }
0x14: {  	[sflag:s9] =	ssyncset.done $0x0  }
0x15: {  	s0 =	simm.s32 $0x280;
	[sflag:s9] =	ssyncadd.s32 $0xFFFFFE00  }
0x16: {  	[tilespmem:s0], [sflag:$0x11] =	stream.linear.gather [hbm4b:s6+s4], $0x200, $0x38;
	[tilespmem:$0x14500] =	vst v63  }
0x17: {  	_ =	swait.ge [sflag:s9], $0x200  }
0x18: {  	[sflag:s9] =	ssyncset.done $0x0  }
0x19: {  	[sflag:s9] =	ssyncadd.s32 $0xFFFFFE00  }
0x1a: {  	v4 =	vld [tilespmem:$0x0]  }
0x1b: {  	v5 =	vld [tilespmem:$0x280];
	_ =	sdelay $0x3  }
0x1c: {  	(v2sf) =	vpush v4, $0x0  }
0x1d: {  	(v2sf) =	vpush v5, $0x0;
	_ =	sdelay $0xd  }
0x1e: {  	s13 =	spop (v2sf)  }
0x1f: {  	s0 =	sand.u32 $0xFFFFF80, s13;
	s3 =	spop (v2sf)  }
0x20: {  	s10 =	simm.s32 $0x500;
	s0 =	sadd.s32 s1, s0;
	s3 =	sand.u32 $0xFFFFF80, s3  }
0x21: {  	[tilespmem:s10], [sflag:$0x1] =	stream.linear.gather [hbm4b:s0+s4], $0x400, $0x38;
	[tilespmem:$0x14500] =	vst v63  }
0x22: {  	s14 =	simm.s32 $0x8500;
	s3 =	sadd.s32 s2, s3  }
0x23: {  	[tilespmem:s14], [sflag:$0x9] =	stream.linear.gather [hbm4b:s3+s4], $0x400, $0x38;
	[tilespmem:$0x14500] =	vst v63  }
0x24: {  	s11 =	simm.s32 $0x900;
	s15 =	sadd.s32 $0xF4280, s0  }
0x25: {  	[tilespmem:s11], [sflag:$0x1] =	stream.linear.gather [hbm4b:s15+s4], $0x400, $0x38;
	[tilespmem:$0x14500] =	vst v63  }
0x26: {  	s17 =	simm.s32 $0x8900;
	s16 =	sadd.s32 $0xF4280, s3  }
0x27: {  	[tilespmem:s17], [sflag:$0x9] =	stream.linear.gather [hbm4b:s16+s4], $0x400, $0x38;
	[tilespmem:$0x14500] =	vst v63  }
0x28: {  	s19 =	simm.s32 $0xD00;
	s18 =	sadd.s32 $0x1E8500, s0  }
0x29: {  	[tilespmem:s19], [sflag:$0x1] =	stream.linear.gather [hbm4b:s18+s4], $0x400, $0x38;
	[tilespmem:$0x14500] =	vst v63  }
0x2a: {  	s22 =	simm.s32 $0x8D00;
	s20 =	sadd.s32 $0x1E8500, s3  }
0x2b: {  	[tilespmem:s22], [sflag:$0x9] =	stream.linear.gather [hbm4b:s20+s4], $0x400, $0x38;
	[tilespmem:$0x14500] =	vst v63  }
0x2c: {  	s23 =	simm.s32 $0x1100;
	s0 =	sadd.s32 $0x2DC780, s0  }
0x2d: {  	[tilespmem:s23], [sflag:$0x1] =	stream.linear.gather [hbm4b:s0+s4], $0x400, $0x38;
	[tilespmem:$0x14500] =	vst v63  }
0x2e: {  	s26 =	simm.s32 $0x9100;
	s25 =	sadd.s32 $0x2DC780, s3  }
0x2f: {  	[tilespmem:s26], [sflag:$0x9] =	stream.linear.gather [hbm4b:s25+s4], $0x400, $0x38;
	[tilespmem:$0x14500] =	vst v63  }
0x30: {  	v4 =	vld [tilespmem:$0x1]  }
0x31: {  	v5 =	vld [tilespmem:$0x281];
	_ =	sdelay $0x3  }
0x32: {  	(v2sf) =	vpush v4, $0x0  }
0x33: {  	(v2sf) =	vpush v5, $0x0;
	_ =	sdelay $0xd  }
0x34: {  	s10 =	spop (v2sf)  }
0x35: {  	s0 =	sand.u32 $0xFFFFF80, s10;
	s11 =	spop (v2sf)  }
0x36: {  	s12 =	simm.s32 $0x1500;
	s0 =	sadd.s32 s1, s0;
	s3 =	sand.u32 $0xFFFFF80, s11  }
0x37: {  	[tilespmem:s12], [sflag:$0x2] =	stream.linear.gather [hbm4b:s0+s4], $0x400, $0x38;
	[tilespmem:$0x14500] =	vst v63  }
0x38: {  	s13 =	simm.s32 $0x9500;
	s3 =	sadd.s32 s2, s3  }
0x39: {  	[tilespmem:s13], [sflag:$0xA] =	stream.linear.gather [hbm4b:s3+s4], $0x400, $0x38;
	[tilespmem:$0x14500] =	vst v63  }
0x3a: {  	s15 =	simm.s32 $0x1900;
	s14 =	sadd.s32 $0xF4280, s0  }
0x3b: {  	[tilespmem:s15], [sflag:$0x2] =	stream.linear.gather [hbm4b:s14+s4], $0x400, $0x38;
	[tilespmem:$0x14500] =	vst v63  }
0x3c: {  	s17 =	simm.s32 $0x9900;
	s16 =	sadd.s32 $0xF4280, s3  }
0x3d: {  	[tilespmem:s17], [sflag:$0xA] =	stream.linear.gather [hbm4b:s16+s4], $0x400, $0x38;
	[tilespmem:$0x14500] =	vst v63  }
0x3e: {  	s19 =	simm.s32 $0x1D00;
	s18 =	sadd.s32 $0x1E8500, s0  }
0x3f: {  	[tilespmem:s19], [sflag:$0x2] =	stream.linear.gather [hbm4b:s18+s4], $0x400, $0x38;
	[tilespmem:$0x14500] =	vst v63  }
0x40: {  	s22 =	simm.s32 $0x9D00;
	s20 =	sadd.s32 $0x1E8500, s3  }
0x41: {  	[tilespmem:s22], [sflag:$0xA] =	stream.linear.gather [hbm4b:s20+s4], $0x400, $0x38;
	[tilespmem:$0x14500] =	vst v63  }
0x42: {  	s23 =	simm.s32 $0x2100;
	s0 =	sadd.s32 $0x2DC780, s0  }
0x43: {  	[tilespmem:s23], [sflag:$0x2] =	stream.linear.gather [hbm4b:s0+s4], $0x400, $0x38;
	[tilespmem:$0x14500] =	vst v63  }
0x44: {  	s26 =	simm.s32 $0xA100;
	s25 =	sadd.s32 $0x2DC780, s3  }
0x45: {  	[tilespmem:s26], [sflag:$0xA] =	stream.linear.gather [hbm4b:s25+s4], $0x400, $0x38;
	[tilespmem:$0x14500] =	vst v63  }
0x46: {  	v4 =	vld [tilespmem:$0x2]  }
0x47: {  	v5 =	vld [tilespmem:$0x282];
	_ =	sdelay $0x3  }
0x48: {  	(v2sf) =	vpush v4, $0x0  }
0x49: {  	(v2sf) =	vpush v5, $0x0;
	_ =	sdelay $0xd  }
0x4a: {  	s10 =	spop (v2sf)  }
0x4b: {  	s0 =	sand.u32 $0xFFFFF80, s10;
	s11 =	spop (v2sf)  }
0x4c: {  	s12 =	simm.s32 $0x2500;
	s0 =	sadd.s32 s1, s0;
	s3 =	sand.u32 $0xFFFFF80, s11  }
0x4d: {  	[tilespmem:s12], [sflag:$0x3] =	stream.linear.gather [hbm4b:s0+s4], $0x400, $0x38;
	[tilespmem:$0x14500] =	vst v63  }
0x4e: {  	s13 =	simm.s32 $0xA500;
	s3 =	sadd.s32 s2, s3  }
0x4f: {  	[tilespmem:s13], [sflag:$0xB] =	stream.linear.gather [hbm4b:s3+s4], $0x400, $0x38;
	[tilespmem:$0x14500] =	vst v63  }
0x50: {  	s15 =	simm.s32 $0x2900;
	s14 =	sadd.s32 $0xF4280, s0  }
0x51: {  	[tilespmem:s15], [sflag:$0x3] =	stream.linear.gather [hbm4b:s14+s4], $0x400, $0x38;
	[tilespmem:$0x14500] =	vst v63  }
0x52: {  	s17 =	simm.s32 $0xA900;
	s16 =	sadd.s32 $0xF4280, s3  }
0x53: {  	[tilespmem:s17], [sflag:$0xB] =	stream.linear.gather [hbm4b:s16+s4], $0x400, $0x38;
	[tilespmem:$0x14500] =	vst v63  }
0x54: {  	s19 =	simm.s32 $0x2D00;
	s18 =	sadd.s32 $0x1E8500, s0  }
0x55: {  	[tilespmem:s19], [sflag:$0x3] =	stream.linear.gather [hbm4b:s18+s4], $0x400, $0x38;
	[tilespmem:$0x14500] =	vst v63  }
0x56: {  	s22 =	simm.s32 $0xAD00;
	s20 =	sadd.s32 $0x1E8500, s3  }
0x57: {  	[tilespmem:s22], [sflag:$0xB] =	stream.linear.gather [hbm4b:s20+s4], $0x400, $0x38;
	[tilespmem:$0x14500] =	vst v63  }
0x58: {  	s23 =	simm.s32 $0x3100;
	s0 =	sadd.s32 $0x2DC780, s0  }
0x59: {  	[tilespmem:s23], [sflag:$0x3] =	stream.linear.gather [hbm4b:s0+s4], $0x400, $0x38;
	[tilespmem:$0x14500] =	vst v63  }
0x5a: {  	s26 =	simm.s32 $0xB100;
	s25 =	sadd.s32 $0x2DC780, s3  }
0x5b: {  	[tilespmem:s26], [sflag:$0xB] =	stream.linear.gather [hbm4b:s25+s4], $0x400, $0x38;
	[tilespmem:$0x14500] =	vst v63  }
0x5c: {  	v4 =	vld [tilespmem:$0x3]  }
0x5d: {  	v5 =	vld [tilespmem:$0x283];
	_ =	sdelay $0x3  }
0x5e: {  	(v2sf) =	vpush v4, $0x0  }
0x5f: {  	(v2sf) =	vpush v5, $0x0;
	_ =	sdelay $0xd  }
0x60: {  	s10 =	spop (v2sf)  }
0x61: {  	s0 =	sand.u32 $0xFFFFF80, s10;
	s11 =	spop (v2sf)  }
0x62: {  	s12 =	simm.s32 $0x3500;
	s0 =	sadd.s32 s1, s0;
	s3 =	sand.u32 $0xFFFFF80, s11  }
0x63: {  	[tilespmem:s12], [sflag:$0x4] =	stream.linear.gather [hbm4b:s0+s4], $0x400, $0x38;
	[tilespmem:$0x14500] =	vst v63  }
0x64: {  	s13 =	simm.s32 $0xB500;
	s3 =	sadd.s32 s2, s3  }
0x65: {  	[tilespmem:s13], [sflag:$0xC] =	stream.linear.gather [hbm4b:s3+s4], $0x400, $0x38;
	[tilespmem:$0x14500] =	vst v63  }
0x66: {  	s15 =	simm.s32 $0x3900;
	s14 =	sadd.s32 $0xF4280, s0  }
0x67: {  	[tilespmem:s15], [sflag:$0x4] =	stream.linear.gather [hbm4b:s14+s4], $0x400, $0x38;
	[tilespmem:$0x14500] =	vst v63  }
0x68: {  	s17 =	simm.s32 $0xB900;
	s16 =	sadd.s32 $0xF4280, s3  }
0x69: {  	[tilespmem:s17], [sflag:$0xC] =	stream.linear.gather [hbm4b:s16+s4], $0x400, $0x38;
	[tilespmem:$0x14500] =	vst v63  }
0x6a: {  	s19 =	simm.s32 $0x3D00;
	s18 =	sadd.s32 $0x1E8500, s0  }
0x6b: {  	[tilespmem:s19], [sflag:$0x4] =	stream.linear.gather [hbm4b:s18+s4], $0x400, $0x38;
	[tilespmem:$0x14500] =	vst v63  }
0x6c: {  	s22 =	simm.s32 $0xBD00;
	s20 =	sadd.s32 $0x1E8500, s3  }
0x6d: {  	[tilespmem:s22], [sflag:$0xC] =	stream.linear.gather [hbm4b:s20+s4], $0x400, $0x38;
	[tilespmem:$0x14500] =	vst v63  }
0x6e: {  	s23 =	simm.s32 $0x4100;
	s0 =	sadd.s32 $0x2DC780, s0  }
0x6f: {  	[tilespmem:s23], [sflag:$0x4] =	stream.linear.gather [hbm4b:s0+s4], $0x400, $0x38;
	[tilespmem:$0x14500] =	vst v63  }
0x70: {  	s26 =	simm.s32 $0xC100;
	s25 =	sadd.s32 $0x2DC780, s3  }
0x71: {  	[tilespmem:s26], [sflag:$0xC] =	stream.linear.gather [hbm4b:s25+s4], $0x400, $0x38;
	[tilespmem:$0x14500] =	vst v63  }
0x72: {  	v4 =	vld [tilespmem:$0x4]  }
0x73: {  	v5 =	vld [tilespmem:$0x284];
	_ =	sdelay $0x3  }
0x74: {  	(v2sf) =	vpush v4, $0x0  }
0x75: {  	(v2sf) =	vpush v5, $0x0;
	_ =	sdelay $0xd  }
0x76: {  	s10 =	spop (v2sf)  }
0x77: {  	s0 =	sand.u32 $0xFFFFF80, s10;
	s11 =	spop (v2sf)  }
0x78: {  	s12 =	simm.s32 $0x4500;
	s0 =	sadd.s32 s1, s0;
	s3 =	sand.u32 $0xFFFFF80, s11  }
0x79: {  	[tilespmem:s12], [sflag:$0x5] =	stream.linear.gather [hbm4b:s0+s4], $0x400, $0x38;
	[tilespmem:$0x14500] =	vst v63  }
0x7a: {  	s13 =	simm.s32 $0xC500;
	s3 =	sadd.s32 s2, s3  }
0x7b: {  	[tilespmem:s13], [sflag:$0xD] =	stream.linear.gather [hbm4b:s3+s4], $0x400, $0x38;
	[tilespmem:$0x14500] =	vst v63  }
0x7c: {  	s15 =	simm.s32 $0x4900;
	s14 =	sadd.s32 $0xF4280, s0  }
0x7d: {  	[tilespmem:s15], [sflag:$0x5] =	stream.linear.gather [hbm4b:s14+s4], $0x400, $0x38;
	[tilespmem:$0x14500] =	vst v63  }
0x7e: {  	s17 =	simm.s32 $0xC900;
	s16 =	sadd.s32 $0xF4280, s3  }
0x7f: {  	[tilespmem:s17], [sflag:$0xD] =	stream.linear.gather [hbm4b:s16+s4], $0x400, $0x38;
	[tilespmem:$0x14500] =	vst v63  }
0x80: {  	s19 =	simm.s32 $0x4D00;
	s18 =	sadd.s32 $0x1E8500, s0  }
0x81: {  	[tilespmem:s19], [sflag:$0x5] =	stream.linear.gather [hbm4b:s18+s4], $0x400, $0x38;
	[tilespmem:$0x14500] =	vst v63  }
0x82: {  	s22 =	simm.s32 $0xCD00;
	s20 =	sadd.s32 $0x1E8500, s3  }
0x83: {  	[tilespmem:s22], [sflag:$0xD] =	stream.linear.gather [hbm4b:s20+s4], $0x400, $0x38;
	[tilespmem:$0x14500] =	vst v63  }
0x84: {  	s23 =	simm.s32 $0x5100;
	s0 =	sadd.s32 $0x2DC780, s0  }
0x85: {  	[tilespmem:s23], [sflag:$0x5] =	stream.linear.gather [hbm4b:s0+s4], $0x400, $0x38;
	[tilespmem:$0x14500] =	vst v63  }
0x86: {  	s26 =	simm.s32 $0xD100;
	s25 =	sadd.s32 $0x2DC780, s3  }
0x87: {  	[tilespmem:s26], [sflag:$0xD] =	stream.linear.gather [hbm4b:s25+s4], $0x400, $0x38;
	[tilespmem:$0x14500] =	vst v63  }
0x88: {  	v4 =	vld [tilespmem:$0x5]  }
0x89: {  	v5 =	vld [tilespmem:$0x285];
	_ =	sdelay $0x3  }
0x8a: {  	(v2sf) =	vpush v4, $0x0  }
0x8b: {  	(v2sf) =	vpush v5, $0x0;
	_ =	sdelay $0xd  }
0x8c: {  	s10 =	spop (v2sf)  }
0x8d: {  	s0 =	sand.u32 $0xFFFFF80, s10;
	s11 =	spop (v2sf)  }
0x8e: {  	s12 =	simm.s32 $0x5500;
	s0 =	sadd.s32 s1, s0;
	s3 =	sand.u32 $0xFFFFF80, s11  }
0x8f: {  	[tilespmem:s12], [sflag:$0x6] =	stream.linear.gather [hbm4b:s0+s4], $0x400, $0x38;
	[tilespmem:$0x14500] =	vst v63  }
0x90: {  	s13 =	simm.s32 $0xD500;
	s3 =	sadd.s32 s2, s3  }
0x91: {  	[tilespmem:s13], [sflag:$0xE] =	stream.linear.gather [hbm4b:s3+s4], $0x400, $0x38;
	[tilespmem:$0x14500] =	vst v63  }
0x92: {  	s15 =	simm.s32 $0x5900;
	s14 =	sadd.s32 $0xF4280, s0  }
0x93: {  	[tilespmem:s15], [sflag:$0x6] =	stream.linear.gather [hbm4b:s14+s4], $0x400, $0x38;
	[tilespmem:$0x14500] =	vst v63  }
0x94: {  	s17 =	simm.s32 $0xD900;
	s16 =	sadd.s32 $0xF4280, s3  }
0x95: {  	[tilespmem:s17], [sflag:$0xE] =	stream.linear.gather [hbm4b:s16+s4], $0x400, $0x38;
	[tilespmem:$0x14500] =	vst v63  }
0x96: {  	s19 =	simm.s32 $0x5D00;
	s18 =	sadd.s32 $0x1E8500, s0  }
0x97: {  	[tilespmem:s19], [sflag:$0x6] =	stream.linear.gather [hbm4b:s18+s4], $0x400, $0x38;
	[tilespmem:$0x14500] =	vst v63  }
0x98: {  	s22 =	simm.s32 $0xDD00;
	s20 =	sadd.s32 $0x1E8500, s3  }
0x99: {  	[tilespmem:s22], [sflag:$0xE] =	stream.linear.gather [hbm4b:s20+s4], $0x400, $0x38;
	[tilespmem:$0x14500] =	vst v63  }
0x9a: {  	s23 =	simm.s32 $0x6100;
	s0 =	sadd.s32 $0x2DC780, s0  }
0x9b: {  	[tilespmem:s23], [sflag:$0x6] =	stream.linear.gather [hbm4b:s0+s4], $0x400, $0x38;
	[tilespmem:$0x14500] =	vst v63  }
0x9c: {  	s26 =	simm.s32 $0xE100;
	s25 =	sadd.s32 $0x2DC780, s3  }
0x9d: {  	[tilespmem:s26], [sflag:$0xE] =	stream.linear.gather [hbm4b:s25+s4], $0x400, $0x38;
	[tilespmem:$0x14500] =	vst v63  }
0x9e: {  	v4 =	vld [tilespmem:$0x6]  }
0x9f: {  	v5 =	vld [tilespmem:$0x286];
	_ =	sdelay $0x3  }
0xa0: {  	(v2sf) =	vpush v4, $0x0  }
0xa1: {  	(v2sf) =	vpush v5, $0x0;
	_ =	sdelay $0xd  }
0xa2: {  	s10 =	spop (v2sf)  }
0xa3: {  	s0 =	sand.u32 $0xFFFFF80, s10;
	s11 =	spop (v2sf)  }
0xa4: {  	s12 =	simm.s32 $0x6500;
	s0 =	sadd.s32 s1, s0;
	s3 =	sand.u32 $0xFFFFF80, s11  }
0xa5: {  	[tilespmem:s12], [sflag:$0x7] =	stream.linear.gather [hbm4b:s0+s4], $0x400, $0x38;
	[tilespmem:$0x14500] =	vst v63  }
0xa6: {  	s13 =	simm.s32 $0xE500;
	s3 =	sadd.s32 s2, s3  }
0xa7: {  	[tilespmem:s13], [sflag:$0xF] =	stream.linear.gather [hbm4b:s3+s4], $0x400, $0x38;
	[tilespmem:$0x14500] =	vst v63  }
0xa8: {  	s15 =	simm.s32 $0x6900;
	s14 =	sadd.s32 $0xF4280, s0  }
0xa9: {  	[tilespmem:s15], [sflag:$0x7] =	stream.linear.gather [hbm4b:s14+s4], $0x400, $0x38;
	[tilespmem:$0x14500] =	vst v63  }
0xaa: {  	s17 =	simm.s32 $0xE900;
	s16 =	sadd.s32 $0xF4280, s3  }
0xab: {  	[tilespmem:s17], [sflag:$0xF] =	stream.linear.gather [hbm4b:s16+s4], $0x400, $0x38;
	[tilespmem:$0x14500] =	vst v63  }
0xac: {  	s19 =	simm.s32 $0x6D00;
	s18 =	sadd.s32 $0x1E8500, s0  }
0xad: {  	[tilespmem:s19], [sflag:$0x7] =	stream.linear.gather [hbm4b:s18+s4], $0x400, $0x38;
	[tilespmem:$0x14500] =	vst v63  }
0xae: {  	s22 =	simm.s32 $0xED00;
	s20 =	sadd.s32 $0x1E8500, s3  }
0xaf: {  	[tilespmem:s22], [sflag:$0xF] =	stream.linear.gather [hbm4b:s20+s4], $0x400, $0x38;
	[tilespmem:$0x14500] =	vst v63  }
0xb0: {  	s23 =	simm.s32 $0x7100;
	s0 =	sadd.s32 $0x2DC780, s0  }
0xb1: {  	[tilespmem:s23], [sflag:$0x7] =	stream.linear.gather [hbm4b:s0+s4], $0x400, $0x38;
	[tilespmem:$0x14500] =	vst v63  }
0xb2: {  	s26 =	simm.s32 $0xF100;
	s25 =	sadd.s32 $0x2DC780, s3  }
0xb3: {  	[tilespmem:s26], [sflag:$0xF] =	stream.linear.gather [hbm4b:s25+s4], $0x400, $0x38;
	[tilespmem:$0x14500] =	vst v63  }
0xb4: {  	p0 =	por $0x0, $0x0;
	s26 =	simm.s32 $0x7  }
0xb5: {  	s25 =	simm.s32 $0x287;
	v4 =	vld @!p0 [tilespmem:s26+$0x0]  }
0xb6: {  	v5 =	vld @!p0 [tilespmem:s25+$0x0];
	_ =	sdelay $0x3  }
0xb7: {  	(v2sf) =	vpush @!p0 v4, $0x0  }
0xb8: {  	(v2sf) =	vpush @!p0 v5, $0x0;
	_ =	sdelay $0xb  }
0xb9: {  	s0 =	simm.s32 @!p0 $0xFFFFFFFF  }
0xba: {  	s0 =	sand.u32 @!p0 $0x7, s0  }
0xbb: {  	s31 =	simm.s32 @!p0 $0x0;
	s10 =	sshll.u32 @!p0 s0, $0xC;
	s11 =	spop @!p0 (v2sf)  }
0xbc: {  	s13 =	sadd.s32 @!p0 $0x1, s0;
	s11 =	sand.u32 @!p0 $0xFFFFF80, s11;
	s12 =	spop @!p0 (v2sf)  }
0xbd: {  	s3 =	sor.u32 @!p0 $0x500, s10;
	s11 =	sadd.s32 @!p0 s1, s11;
	s12 =	sand.u32 @!p0 $0xFFFFF80, s12  }
0xbe: {  	[tilespmem:s3], [sflag:s13] =	stream.linear.gather @!p0 [hbm4b:s11+s31], $0x400, $0x38;
	[tilespmem:$0x14500] =	vst v63  }
0xbf: {  	s14 =	sor.u32 @!p0 $0x8500, s10;
	s3 =	sadd.s32 @!p0 $0x9, s0;
	s12 =	sadd.s32 @!p0 s2, s12  }
0xc0: {  	[tilespmem:s14], [sflag:s3] =	stream.linear.gather @!p0 [hbm4b:s12+s31], $0x400, $0x38;
	[tilespmem:$0x14500] =	vst v63  }
0xc1: {  	s0 =	sor.u32 @!p0 $0x900, s10;
	s14 =	sadd.s32 @!p0 $0xF4280, s11  }
0xc2: {  	[tilespmem:s0], [sflag:s13] =	stream.linear.gather @!p0 [hbm4b:s14+s31], $0x400, $0x38;
	[tilespmem:$0x14500] =	vst v63  }
0xc3: {  	s0 =	sor.u32 @!p0 $0x8900, s10;
	s14 =	sadd.s32 @!p0 $0xF4280, s12  }
0xc4: {  	[tilespmem:s0], [sflag:s3] =	stream.linear.gather @!p0 [hbm4b:s14+s31], $0x400, $0x38;
	[tilespmem:$0x14500] =	vst v63  }
0xc5: {  	s30 =	simm.s32 $0x1;
	s0 =	sor.u32 @!p0 $0xD00, s10;
	s14 =	sadd.s32 @!p0 $0x1E8500, s11  }
0xc6: {  	[tilespmem:s0], [sflag:s13] =	stream.linear.gather @!p0 [hbm4b:s14+s31], $0x400, $0x38;
	[tilespmem:$0x14500] =	vst v63  }
0xc7: {  	s29 =	simm.s32 $0x7;
	s0 =	sor.u32 @!p0 $0x8D00, s10;
	s14 =	sadd.s32 @!p0 $0x1E8500, s12  }
0xc8: {  	[tilespmem:s0], [sflag:s3] =	stream.linear.gather @!p0 [hbm4b:s14+s31], $0x400, $0x38;
	[tilespmem:$0x14500] =	vst v63  }
0xc9: {  	s28 =	simm.s32 $0x0;
	s11 =	sadd.s32 @!p0 $0x2DC780, s11;
	s0 =	sadd.s32 @!p0 $0x1100, s10  }
0xca: {  	[tilespmem:s0], [sflag:s13] =	stream.linear.gather @!p0 [hbm4b:s11+s31], $0x400, $0x38;
	[tilespmem:$0x14500] =	vst v63  }
0xcb: {  	s14 =	sadd.s32 @!p0 $0x2DC780, s12;
	s0 =	sadd.s32 @!p0 $0x9100, s10;
	s11 =	sand.u32 $0x7, s4  }
.LBB2_2:
0xcc: {  	s10 =	sadd.s32 $0x1, s11  }
0xcd: {  	s26 =	sadd.s32 $0x1, s26;
	s18 =	smov.u32 s30;
	s30 =	sadd.s32 $0x1, s30  }
0xce: {  	[tilespmem:s0], [sflag:s3] =	stream.linear.gather @!p0 [hbm4b:s14+s31], $0x400, $0x38;
	[tilespmem:$0x14500] =	vst v63  }
0xcf: {  	p0 =	sgt.u32 s18, $0x1F8;
	p1 =	sne.s32 s30, $0x200;
	_ =	swait.ge [sflag:s10], $0x1000  }
0xd0: {  	s19 =	sshll.u32 s11, $0xC;
	s0 =	sadd.s32 @!p0 $0xFFFFFFFF, s18;
	[sflag:s10] =	ssyncset.done $0x0  }
0xd1: {  	s17 =	sand.u32 @!p0 $0x7, s0;
	s0 =	sadd.s32 $0x9, s11;
	[sflag:s10] =	ssyncadd.s32 $0xFFFFF000  }
0xd2: {  	s3 =	sshll.u32 @!p0 s17, $0xC;
	_ =	swait.ge [sflag:s0], $0x1000  }
0xd3: {  	s16 =	sor.u32 @!p0 $0x500, s3;
	s14 =	sor.u32 @!p0 $0x8500, s3;
	[sflag:s0] =	ssyncset.done $0x0  }
0xd4: {  	s12 =	sor.u32 @!p0 $0x8900, s3;
	s11 =	sor.u32 @!p0 $0xD00, s3;
	[sflag:s0] =	ssyncadd.s32 $0xFFFFF000  }
0xd5: {  	s15 =	sor.u32 @!p0 $0x900, s3;
	s10 =	sadd.s32 @!p0 $0x1100, s3;
	s0 =	sadd.s32 @!p0 $0x9100, s3;
	v4 =	vld [tilespmem:s29+$0xFFFFFFF9]  }
0xd6: {  	s13 =	sor.u32 @!p0 $0x8D00, s3;
	s29 =	smov.u32 s26;
	v5 =	vld [tilespmem:s25+$0xFFFFFFF9];
	_ =	sdelay $0x3  }
0xd7: {  	(v2sf) =	vpush v4, $0x0  }
0xd8: {  	(v2sf) =	vpush v5, $0x0;
	_ =	sdelay $0x9  }
0xd9: {  	s3 =	sadd.s32 @!p0 $0x9, s17  }
0xda: {  	s31 =	simm.s32 @!p0 $0x0  }
0xdb: {  	s17 =	sadd.s32 @!p0 $0x1, s17;
	_ =	sdelay $0x1  }
0xdc: {  	s20 =	spop (v2sf)  }
0xdd: {  	s20 =	sand.u32 $0x7F, s20;
	s22 =	spop (v2sf)  }
0xde: {  	s22 =	sand.u32 $0x7F, s22;
	v4 =	vor.u32 s20, v0;
	v5 =	vor.u32 s20, v1  }
0xdf: {  	v6 =	vor.u32 s22, v0;
	v7 =	vor.u32 s22, v1;
	_ =	sdelay $0x2  }
0xe0: {  	s20 =	sor.u32 $0x500, s19  }
0xe1: {  	v8 =	vmov s28;
	s28 =	smov.u32 s18;
	s19 =	sor.u32 $0x8500, s19;
	v4 =	vld.idx.msk [tilespmem:v4+s20+$0x0], $0xffff  }
0xe2: {  	v9 =	vshll.u32 v8, $0x3;
	v6 =	vld.idx.msk [tilespmem:v6+s19+$0x0], $0xffff  }
0xe3: {  	v8 =	vand.u32 $0x7F, v8;
	v9 =	vand.u32 $0xC00, v9;
	v5 =	vld.idx.msk [tilespmem:v5+s20+$0x0], $0xffff  }
0xe4: {  	v8 =	vor.u32 v8, v9;
	v7 =	vld.idx.msk [tilespmem:v7+s19+$0x0], $0xffff  }
0xe5: {  	v9 =	vor.u32 v2, v8  }
0xe6: {  	v8 =	vor.u32 v3, v8;
	_ =	sdelay $0x1  }
0xe7: {  	v4 =	vmul.f32 v6, v4;
	_ =	sdelay $0x1  }
0xe8: {  	[tilespmem:v9+s21+$0x0] =	vst.idx.msk $0xffff, v4;
	v4 =	vmul.f32 v7, v5;
	_ =	sdelay $0x1  }
0xe9: {  	s25 =	sadd.s32 $0x1, s25;
	[tilespmem:v8+s21+$0x0] =	vst.idx.msk $0xffff, v4  }
0xea: {  	v4 =	vld @!p0 [tilespmem:s26+$0x0]  }
0xeb: {  	v5 =	vld @!p0 [tilespmem:s25+$0x0];
	_ =	sdelay $0x3  }
0xec: {  	(v2sf) =	vpush @!p0 v4, $0x0  }
0xed: {  	(v2sf) =	vpush @!p0 v5, $0x0;
	_ =	sdelay $0xd  }
0xee: {  	s18 =	spop @!p0 (v2sf)  }
0xef: {  	s18 =	sand.u32 @!p0 $0xFFFFF80, s18;
	s19 =	spop @!p0 (v2sf)  }
0xf0: {  	s18 =	sadd.s32 @!p0 s1, s18;
	s19 =	sand.u32 @!p0 $0xFFFFF80, s19  }
0xf1: {  	[tilespmem:s16], [sflag:s17] =	stream.linear.gather @!p0 [hbm4b:s18+s31], $0x400, $0x38;
	[tilespmem:$0x14500] =	vst v63  }
0xf2: {  	s16 =	sadd.s32 @!p0 s2, s19;
	s19 =	sadd.s32 @!p0 $0xF4280, s18;
	s20 =	sadd.s32 @!p0 $0x1E8500, s18  }
0xf3: {  	[tilespmem:s14], [sflag:s3] =	stream.linear.gather @!p0 [hbm4b:s16+s31], $0x400, $0x38;
	[tilespmem:$0x14500] =	vst v63  }
0xf4: {  	s22 =	sadd.s32 @!p0 $0xF4280, s16;
	s23 =	sadd.s32 @!p0 $0x1E8500, s16  }
0xf5: {  	[tilespmem:s15], [sflag:s17] =	stream.linear.gather @!p0 [hbm4b:s19+s31], $0x400, $0x38;
	[tilespmem:$0x14500] =	vst v63  }
0xf6: {  	s14 =	sadd.s32 @!p0 $0x2DC780, s16;
	s15 =	sadd.s32 @!p0 $0x2DC780, s18  }
0xf7: {  	[tilespmem:s12], [sflag:s3] =	stream.linear.gather @!p0 [hbm4b:s22+s31], $0x400, $0x38;
	[tilespmem:$0x14500] =	vst v63  }
0xf8: {  	_ = 	snop  }
0xf9: {  	[tilespmem:s11], [sflag:s17] =	stream.linear.gather @!p0 [hbm4b:s20+s31], $0x400, $0x38;
	[tilespmem:$0x14500] =	vst v63  }
.Ltmp0:
0xfa: {  	_ = 	snop;
	(pc) =	sbr.rel @p1 .LBB2_2-.Ltmp0, $4  }
0xfb: {  	_ = 	snop  }
0xfc: {  	[tilespmem:s13], [sflag:s3] =	stream.linear.gather @!p0 [hbm4b:s23+s31], $0x400, $0x38;
	[tilespmem:$0x14500] =	vst v63  }
0xfd: {  	s11 =	sand.u32 $0x7, s28  }
0xfe: {  	[tilespmem:s10], [sflag:s17] =	stream.linear.gather @!p0 [hbm4b:s15+s31], $0x400, $0x38;
	[tilespmem:$0x14500] =	vst v63  }
0xff: {  	s10 =	sadd.s32 $0x1, s11  }
0x100: {  	[tilespmem:s0], [sflag:s3] =	stream.linear.gather @!p0 [hbm4b:s14+s31], $0x400, $0x38;
	[tilespmem:$0x14500] =	vst v63  }
0x101: {  	_ =	swait.ge [sflag:s10], $0x1000  }
0x102: {  	[sflag:s10] =	ssyncset.done $0x0  }
0x103: {  	s22 =	sadd.s32 $0x9, s11;
	[sflag:s10] =	ssyncadd.s32 $0xFFFFF000  }
0x104: {  	_ =	swait.ge [sflag:s22], $0x1000  }
0x105: {  	[sflag:s22] =	ssyncset.done $0x0  }
0x106: {  	[sflag:s22] =	ssyncadd.s32 $0xFFFFF000  }
0x107: {  	v4 =	vld [tilespmem:s29+$0xFFFFFFF9];
	_ =	sdelay $0x1  }
0x108: {  	v5 =	vld [tilespmem:s25+$0xFFFFFFF9];
	_ =	sdelay $0x2  }
0x109: {  	(v2sf) =	vpush v4, $0x0;
	_ =	sdelay $0x1  }
0x10a: {  	(v2sf) =	vpush v5, $0x0;
	_ =	sdelay $0xc  }
0x10b: {  	s23 =	spop (v2sf)  }
0x10c: {  	s0 =	sand.u32 $0x7F, s23  }
0x10d: {  	s25 =	spop (v2sf);
	v4 =	vor.u32 s0, v0  }
0x10e: {  	s3 =	sand.u32 $0x7F, s25;
	v6 =	vor.u32 s0, v1  }
0x10f: {  	v5 =	vor.u32 s3, v0  }
0x110: {  	s26 =	sshll.u32 s11, $0xC;
	v7 =	vor.u32 s3, v1  }
0x111: {  	s29 =	sor.u32 $0x500, s26  }
0x112: {  	v8 =	vmov s28;
	v4 =	vld.idx.msk [tilespmem:v4+s29+$0x0], $0xffff  }
0x113: {  	v9 =	vshll.u32 v8, $0x3;
	s0 =	sor.u32 $0x8500, s26;
	v6 =	vld.idx.msk [tilespmem:v6+s29+$0x0], $0xffff  }
0x114: {  	v8 =	vand.u32 $0x7F, v8;
	v9 =	vand.u32 $0xC00, v9;
	v5 =	vld.idx.msk [tilespmem:v5+s0+$0x0], $0xffff  }
0x115: {  	v8 =	vor.u32 v8, v9;
	v7 =	vld.idx.msk [tilespmem:v7+s0+$0x0], $0xffff  }
0x116: {  	v9 =	vor.u32 v2, v8  }
0x117: {  	v8 =	vor.u32 v3, v8;
	_ =	sdelay $0x1  }
0x118: {  	v4 =	vmul.f32 v5, v4  }
0x119: {  	s24 =	sadd.s32 $0x1, s24;
	v5 =	vmul.f32 v7, v6  }
0x11a: {  	p0 =	sne.s32 s24, s8;
	[tilespmem:v9+s21+$0x0] =	vst.idx.msk $0xffff, v4  }
.Ltmp1:
0x11b: {  	s30 =	simm.s32 $0x1000;
	s31 =	simm.s32 $0x20000;
	[tilespmem:v8+s21+$0x0] =	vst.idx.msk $0xffff, v5;
	(pc) =	sbr.rel @p0 .LBB2_1-.Ltmp1, $4  }
0x11c: {  	[hbm4b:s7+s30] =	stream.strided.scatter [tilespmem:s21], [sflag:$0x11], $0x4000, s31, s30, $0x38;
	[tilespmem:$0x14500] =	vst v63  }
0x11d: {  	_ =	swait.ge [sflag:s9], $0x4000  }
0x11e: {  	[sflag:s9] =	ssyncset.done $0x0  }
0x11f: {  	[sflag:s9] =	ssyncadd.s32 $0xFFFFC000  }
0x120: {  	_ =	sfence.sel $0x180000  }
0x121: {  	[bflag:$0x0] =	sbarrier.arrive $0xFFFF  }
0x122: {  	_ =	strace $0x90000047  }
0x123: {  	s0 =	stileid.u32;
	[bflag:$0x2] =	sbarrier.arrive $0xFFFF  }
0x124: {  	p0 =	sne.s32 s0, $0x0;
	s0 =	rddreg [dreg:$0x5]  }
0x125: {  	s0 =	sadd.s32 @!p0 $0x100000, s0  }
0x126: {  	[sflag:s0] =	ssyncadd.tile.s32 @!p0 $0x1;
	_ =	shalt  }
.Lfunc_end2:
_tile_overlayer_lowered:
.L_overlay_start_2:
0x127: {  	(tag) =	ssettag $0x2  }
0x128: {  	s0 =	rddreg [dreg:$0x0];
	s2 =	stileid.u32  }
0x129: {  	s1 =	rddreg [dreg:$0x1];
	p0 =	sne.s32 s2, $0x0  }
0x12a: {  	s3 =	rddreg [dreg:$0x2];
	[bflag:$0x3] =	sbarrier.arrive $0xFFFF;
	s2 =	simm.s32 @!p0 $0x1C11  }
0x12b: {  	[timem:s3], [sflag:s2] =	dma.local @!p0 [hbm:s0], s1  }
0x12c: {  	s0 =	simm.s32 @!p0 $0x11  }
0x12d: {  	_ =	swait.ge @!p0 [sflag:s0], s1  }
0x12e: {  	s1 =	ssub.s32 @!p0 $0x0, s1;
	[sflag:s0] =	ssyncset.done @!p0 $0x0  }
0x12f: {  	[sflag:s0] =	ssyncadd.s32 @!p0 s1  }
0x130: {  	[bflag:$0x3] =	sbarrier.arrive $0xFFFF  }
0x131: {  	_ =	shalt  }

</sc_bundles>
